<compile_context>
chip_gen: v7x
topology: tpu7x:2x2x1
jax: 0.10.2.dev20260603
libtpu: 0.0.44.dev20260713+nightly
codegen_flags: <defaults>
</compile_context>

<pallas_src>
import functools
import math

import numpy as np
import jax
import jax.numpy as jnp
from jax import lax
from jax.experimental import pallas as pl
from jax.experimental.pallas import tpu as pltpu
from jax.experimental.pallas import tpu_sc as plsc

_D = 1024
_MXLEN = 8192
_MAX_TIMESCALE = 10000.0
_SCALE = math.sqrt(_D)

_NC = 2
_NS = 16
_NW = _NC * _NS

_CHUNK = 32
_NCHUNK = 8


def _pe_table_np(seq):
    inc = math.log(_MAX_TIMESCALE) / _D
    inv_timescales = np.exp(
        np.arange(0, _D, 2, dtype=np.float32) * -inc).astype(np.float32)
    position = np.arange(0, seq, dtype=np.float32)[:, None]
    pe = np.zeros((seq, _D), dtype=np.float32)
    pe[:, 0::2] = np.sin(position * inv_timescales)
    pe[:, 1::2] = np.cos(position * inv_timescales)
    return pe


_PE = _pe_table_np(_MXLEN)


def _sc_gather(table, idx3):
    n_rows = _NW * _NCHUNK * _CHUNK
    mesh = plsc.VectorSubcoreMesh(core_axis_name="c", subcore_axis_name="s")

    @functools.partial(
        pl.kernel,
        mesh=mesh,
        out_type=jax.ShapeDtypeStruct((n_rows, _D), jnp.float32),
        scratch_types=[
            pltpu.VMEM((_NCHUNK, _CHUNK), jnp.int32),
            pltpu.VMEM((_CHUNK, _D), jnp.float32),
            pltpu.VMEM((_CHUNK, _D), jnp.float32),
            pltpu.VMEM((_CHUNK, _D), jnp.float32),
            pltpu.SemaphoreType.DMA,
            pltpu.SemaphoreType.DMA,
            pltpu.SemaphoreType.DMA,
            pltpu.SemaphoreType.DMA,
            pltpu.SemaphoreType.DMA,
            pltpu.SemaphoreType.DMA,
        ],
    )
    def k(table_hbm, idx_hbm, out_hbm, idx_v,
          rows0, rows1, rows2, g0, g1, g2, w0, w1, w2):
        wid = lax.axis_index("s") * _NC + lax.axis_index("c")
        base = wid * (_NCHUNK * _CHUNK)
        rows = (rows0, rows1, rows2)
        gsem = (g0, g1, g2)
        wsem = (w0, w1, w2)
        pltpu.sync_copy(idx_hbm.at[wid], idx_v)
        gcp = [None, None, None]
        wcp = [None, None, None]
        gcp[0] = pltpu.async_copy(table_hbm.at[idx_v.at[0]], rows[0], gsem[0])
        gcp[1] = pltpu.async_copy(table_hbm.at[idx_v.at[1]], rows[1], gsem[1])
        for c in range(_NCHUNK):
            b = c % 3
            if c + 2 < _NCHUNK:
                tb = (c + 2) % 3
                if wcp[tb] is not None:
                    wcp[tb].wait()
                gcp[tb] = pltpu.async_copy(
                    table_hbm.at[idx_v.at[c + 2]], rows[tb], gsem[tb])
            gcp[b].wait()
            wcp[b] = pltpu.async_copy(
                rows[b], out_hbm.at[pl.ds(base + c * _CHUNK, _CHUNK)], wsem[b])
        for b in range(3):
            if wcp[b] is not None:
                wcp[b].wait()

    return k(table, idx3)


def _fma_body(g_ref, pe_ref, o_ref):
    o_ref[...] = g_ref[...] * _SCALE + pe_ref[...]


def kernel(x, table):
    batch, seq = x.shape
    n_rows = batch * seq
    assert n_rows == _NW * _NCHUNK * _CHUNK

    idx3 = x.reshape(_NW, _NCHUNK, _CHUNK)
    g = _sc_gather(table, idx3)

    pe = jnp.asarray(_PE[:seq])
    blk = 2048
    npe = seq // blk
    out = pl.pallas_call(
        _fma_body,
        grid=(npe, batch),
        in_specs=[
            pl.BlockSpec((blk, _D), lambda i, j: (j * npe + i, 0)),
            pl.BlockSpec((blk, _D), lambda i, j: (i, 0)),
        ],
        out_specs=pl.BlockSpec((blk, _D), lambda i, j: (j * npe + i, 0)),
        out_shape=jax.ShapeDtypeStruct((n_rows, _D), jnp.float32),
    )(g, pe)

    return out.reshape(batch, seq, _D)

# --- scband reference (transcript-rebuilt; emitter-appended) ---
"""Pipeline reference for scband-pos-embeddings-53395033424070 (READ-ONLY COPY).

The authoritative reference and input builder live on the scoring server;
editing this copy changes nothing except your own understanding.
"""

import jax, jax.numpy as jnp
import numpy as np
import math

VOCAB = 100000
D_MODEL = 1024
MXLEN = 8192
MAX_TIMESCALE = 10000.0
BATCH = 4
SEQ = 2048


def make_pe():
    log_timescale_increment = math.log(MAX_TIMESCALE) / D_MODEL
    inv_timescales = jnp.exp(jnp.arange(0, D_MODEL, 2, dtype=jnp.float32) * -log_timescale_increment)
    position = jnp.arange(0, MXLEN, dtype=jnp.float32)[:, None]
    pe = jnp.zeros((MXLEN, D_MODEL), dtype=jnp.float32)
    pe = pe.at[:, 0::2].set(jnp.sin(position * inv_timescales))
    pe = pe.at[:, 1::2].set(jnp.cos(position * inv_timescales))
    return pe[None, :, :]


def setup_inputs(seed: int = 0) -> dict:
    key = jax.random.key(seed)
    k1, k2 = jax.random.split(key)
    x = jax.random.randint(k1, (BATCH, SEQ), 0, VOCAB, dtype=jnp.int32)
    # learned embedding table (the wrapped `embed` module's weight)
    table = jax.random.normal(k2, (VOCAB, D_MODEL), dtype=jnp.float32) * 0.02
    return {"x": x, "table": table}


def reference(x, table):
    # x = self.embed(x) * sqrt(d_model)
    emb = jnp.take(table, x, axis=0) * math.sqrt(D_MODEL)
    # x = x + pe[:, :x.size(1)]
    pe = make_pe()
    out = emb + pe[:, : x.shape[1]]
    # dropout(p=0.0) at inference -> identity
    return out

if __name__ == "__main__":
    import jax
    _d = setup_inputs()
    print(jax.jit(kernel)(*tuple(_d.values())))

</pallas_src>

<mosaic_0001>
#map = affine_map<(d0, d1) -> (0, 0)>
#map1 = affine_map<(d0, d1) -> (0, 0, 0)>
module attributes {stable_mosaic.version = 14 : i64} {
  func.func @k(%arg0: i32, %arg1: i32, %arg2: memref<100000x1024xf32, #tpu.memory_space<hbm>>, %arg3: memref<32x8x32xi32, #tpu.memory_space<hbm>>, %arg4: memref<8192x1024xf32, #tpu.memory_space<hbm>>, %arg5: memref<8x32xi32, #tpu.memory_space<vmem>>, %arg6: memref<32x1024xf32, #tpu.memory_space<vmem>>, %arg7: memref<32x1024xf32, #tpu.memory_space<vmem>>, %arg8: memref<32x1024xf32, #tpu.memory_space<vmem>>, %arg9: memref<!tpu.dma_semaphore, #tpu.memory_space<semaphore_mem>>, %arg10: memref<!tpu.dma_semaphore, #tpu.memory_space<semaphore_mem>>, %arg11: memref<!tpu.dma_semaphore, #tpu.memory_space<semaphore_mem>>, %arg12: memref<!tpu.dma_semaphore, #tpu.memory_space<semaphore_mem>>, %arg13: memref<!tpu.dma_semaphore, #tpu.memory_space<semaphore_mem>>, %arg14: memref<!tpu.dma_semaphore, #tpu.memory_space<semaphore_mem>>) attributes {dimension_semantics = [#tpu.dimension_semantics<core_parallel>, #tpu.dimension_semantics<subcore_parallel>], iteration_bounds = array<i64: 2, 16>, scalar_prefetch = 0 : i64, scratch_operands = 10 : i64, tpu.core_type = #tpu.core_type<sc_vector_subcore>, window_params = [{transform_indices = #map}, {transform_indices = #map1}, {transform_indices = #map}]} {
    %mul3A = arith.constant 2 : i32
    %mul3A_0 = arith.muli %arg1, %mul3A : i32
    %add3A = arith.addi %mul3A_0, %arg0 : i32
    %mul3A_1 = arith.constant 256 : i32
    %mul3A_2 = arith.muli %add3A, %mul3A_1 : i32
    "tpu.region"() ({
      %run_scoped3A = tpu.sem_alloc : memref<!tpu.dma_semaphore, #tpu.memory_space<semaphore_mem>>
      %dma_start3A_193 = arith.constant 0 : i32
      %dma_start3A_194 = arith.constant 0 : i32
      %dma_start3A_195 = tpu.memref_slice %arg3[%add3A, %dma_start3A_193, %dma_start3A_194] : memref<32x8x32xi32, #tpu.memory_space<hbm>> -> memref<1x8x32xi32, #tpu.memory_space<hbm>>
      %dma_start3A_196 = tpu.memref_squeeze %dma_start3A_195 : memref<1x8x32xi32, #tpu.memory_space<hbm>> -> memref<8x32xi32, #tpu.memory_space<hbm>>
      %dma_start3A_197 = arith.constant 0 : i32
      %dma_start3A_198 = arith.constant 0 : i32
      %dma_start3A_199 = tpu.memref_slice %arg3[%add3A, %dma_start3A_197, %dma_start3A_198] : memref<32x8x32xi32, #tpu.memory_space<hbm>> -> memref<1x8x32xi32, #tpu.memory_space<hbm>>
      %dma_start3A_200 = tpu.memref_squeeze %dma_start3A_199 : memref<1x8x32xi32, #tpu.memory_space<hbm>> -> memref<8x32xi32, #tpu.memory_space<hbm>>
      tpu.enqueue_dma source(%dma_start3A_200 : memref<8x32xi32, #tpu.memory_space<hbm>>) target(%arg5 : memref<8x32xi32, #tpu.memory_space<vmem>>) target_semaphore(%run_scoped3A : memref<!tpu.dma_semaphore, #tpu.memory_space<semaphore_mem>>)
      %dma_wait3A_201 = arith.constant 0 : i32
      %dma_wait3A_202 = arith.constant 0 : i32
      %dma_wait3A_203 = tpu.memref_slice %arg3[%add3A, %dma_wait3A_201, %dma_wait3A_202] : memref<32x8x32xi32, #tpu.memory_space<hbm>> -> memref<1x8x32xi32, #tpu.memory_space<hbm>>
      %dma_wait3A_204 = tpu.memref_squeeze %dma_wait3A_203 : memref<1x8x32xi32, #tpu.memory_space<hbm>> -> memref<8x32xi32, #tpu.memory_space<hbm>>
      %dma_wait3A_205 = arith.constant 0 : i32
      %dma_wait3A_206 = arith.constant 0 : i32
      %dma_wait3A_207 = tpu.memref_slice %arg3[%add3A, %dma_wait3A_205, %dma_wait3A_206] : memref<32x8x32xi32, #tpu.memory_space<hbm>> -> memref<1x8x32xi32, #tpu.memory_space<hbm>>
      %dma_wait3A_208 = tpu.memref_squeeze %dma_wait3A_207 : memref<1x8x32xi32, #tpu.memory_space<hbm>> -> memref<8x32xi32, #tpu.memory_space<hbm>>
      tpu.wait_dma2 semaphore(%run_scoped3A : memref<!tpu.dma_semaphore, #tpu.memory_space<semaphore_mem>>) src(%dma_wait3A_208 : memref<8x32xi32, #tpu.memory_space<hbm>>) dst(%arg5 : memref<8x32xi32, #tpu.memory_space<vmem>>)
      tpu.yield
    }) : () -> ()
    %dma_start3A = arith.constant 0 : i32
    %dma_start3A_3 = arith.constant 0 : i32
    %dma_start3A_4 = tpu.memref_slice %arg5[%dma_start3A, %dma_start3A_3] : memref<8x32xi32, #tpu.memory_space<vmem>> -> memref<1x32xi32, #tpu.memory_space<vmem>>
    %dma_start3A_5 = tpu.memref_squeeze %dma_start3A_4 : memref<1x32xi32, #tpu.memory_space<vmem>> -> memref<32xi32, #tpu.memory_space<vmem>>
    %dma_start3A_6 = arith.constant 0 : i32
    %dma_start3A_7 = arith.constant 0 : i32
    %dma_start3A_8 = tpu.memref_slice %arg2[%dma_start3A_6, %dma_start3A_7] : memref<100000x1024xf32, #tpu.memory_space<hbm>> -> memref<100000x1024xf32, #tpu.memory_space<hbm>>
    tpu.enqueue_indirect_dma source(%dma_start3A_8 : memref<100000x1024xf32, #tpu.memory_space<hbm>>) target(%arg6 : memref<32x1024xf32, #tpu.memory_space<vmem>>) offsets(%dma_start3A_5 : memref<32xi32, #tpu.memory_space<vmem>>) semaphore(%arg9 : memref<!tpu.dma_semaphore, #tpu.memory_space<semaphore_mem>>)
    %dma_start3A_9 = arith.constant 1 : i32
    %dma_start3A_10 = arith.constant 0 : i32
    %dma_start3A_11 = tpu.memref_slice %arg5[%dma_start3A_9, %dma_start3A_10] : memref<8x32xi32, #tpu.memory_space<vmem>> -> memref<1x32xi32, #tpu.memory_space<vmem>>
    %dma_start3A_12 = tpu.memref_squeeze %dma_start3A_11 : memref<1x32xi32, #tpu.memory_space<vmem>> -> memref<32xi32, #tpu.memory_space<vmem>>
    %dma_start3A_13 = arith.constant 0 : i32
    %dma_start3A_14 = arith.constant 0 : i32
    %dma_start3A_15 = tpu.memref_slice %arg2[%dma_start3A_13, %dma_start3A_14] : memref<100000x1024xf32, #tpu.memory_space<hbm>> -> memref<100000x1024xf32, #tpu.memory_space<hbm>>
    tpu.enqueue_indirect_dma source(%dma_start3A_15 : memref<100000x1024xf32, #tpu.memory_space<hbm>>) target(%arg7 : memref<32x1024xf32, #tpu.memory_space<vmem>>) offsets(%dma_start3A_12 : memref<32xi32, #tpu.memory_space<vmem>>) semaphore(%arg10 : memref<!tpu.dma_semaphore, #tpu.memory_space<semaphore_mem>>)
    %dma_start3A_16 = arith.constant 2 : i32
    %dma_start3A_17 = arith.constant 0 : i32
    %dma_start3A_18 = tpu.memref_slice %arg5[%dma_start3A_16, %dma_start3A_17] : memref<8x32xi32, #tpu.memory_space<vmem>> -> memref<1x32xi32, #tpu.memory_space<vmem>>
    %dma_start3A_19 = tpu.memref_squeeze %dma_start3A_18 : memref<1x32xi32, #tpu.memory_space<vmem>> -> memref<32xi32, #tpu.memory_space<vmem>>
    %dma_start3A_20 = arith.constant 0 : i32
    %dma_start3A_21 = arith.constant 0 : i32
    %dma_start3A_22 = tpu.memref_slice %arg2[%dma_start3A_20, %dma_start3A_21] : memref<100000x1024xf32, #tpu.memory_space<hbm>> -> memref<100000x1024xf32, #tpu.memory_space<hbm>>
    tpu.enqueue_indirect_dma source(%dma_start3A_22 : memref<100000x1024xf32, #tpu.memory_space<hbm>>) target(%arg8 : memref<32x1024xf32, #tpu.memory_space<vmem>>) offsets(%dma_start3A_19 : memref<32xi32, #tpu.memory_space<vmem>>) semaphore(%arg11 : memref<!tpu.dma_semaphore, #tpu.memory_space<semaphore_mem>>)
    %dma_wait3A = arith.constant 0 : i32
    %dma_wait3A_23 = arith.constant 0 : i32
    %dma_wait3A_24 = tpu.memref_slice %arg5[%dma_wait3A, %dma_wait3A_23] : memref<8x32xi32, #tpu.memory_space<vmem>> -> memref<1x32xi32, #tpu.memory_space<vmem>>
    %dma_wait3A_25 = tpu.memref_squeeze %dma_wait3A_24 : memref<1x32xi32, #tpu.memory_space<vmem>> -> memref<32xi32, #tpu.memory_space<vmem>>
    %dma_wait3A_26 = arith.constant 0 : i32
    %dma_wait3A_27 = arith.constant 0 : i32
    %dma_wait3A_28 = tpu.memref_slice %arg2[%dma_wait3A_26, %dma_wait3A_27] : memref<100000x1024xf32, #tpu.memory_space<hbm>> -> memref<100000x1024xf32, #tpu.memory_space<hbm>>
    tpu.wait_indirect_dma semaphore(%arg9 : memref<!tpu.dma_semaphore, #tpu.memory_space<semaphore_mem>>) src(%dma_wait3A_28 : memref<100000x1024xf32, #tpu.memory_space<hbm>>) dst(%arg6 : memref<32x1024xf32, #tpu.memory_space<vmem>>)
    %add3A_29 = arith.constant 0 : i32
    %add3A_30 = arith.addi %mul3A_2, %add3A_29 : i32
    %dma_start3A_31 = arith.constant 0 : i32
    %dma_start3A_32 = tpu.memref_slice %arg4[%add3A_30, %dma_start3A_31] : memref<8192x1024xf32, #tpu.memory_space<hbm>> -> memref<32x1024xf32, #tpu.memory_space<hbm>>
    %dma_start3A_33 = arith.constant 0 : i32
    %dma_start3A_34 = tpu.memref_slice %arg4[%add3A_30, %dma_start3A_33] : memref<8192x1024xf32, #tpu.memory_space<hbm>> -> memref<32x1024xf32, #tpu.memory_space<hbm>>
    tpu.enqueue_dma source(%arg6 : memref<32x1024xf32, #tpu.memory_space<vmem>>) target(%dma_start3A_34 : memref<32x1024xf32, #tpu.memory_space<hbm>>) target_semaphore(%arg12 : memref<!tpu.dma_semaphore, #tpu.memory_space<semaphore_mem>>)
    %dma_wait3A_35 = arith.constant 0 : i32
    %dma_wait3A_36 = tpu.memref_slice %arg4[%add3A_30, %dma_wait3A_35] : memref<8192x1024xf32, #tpu.memory_space<hbm>> -> memref<32x1024xf32, #tpu.memory_space<hbm>>
    %dma_wait3A_37 = arith.constant 0 : i32
    %dma_wait3A_38 = tpu.memref_slice %arg4[%add3A_30, %dma_wait3A_37] : memref<8192x1024xf32, #tpu.memory_space<hbm>> -> memref<32x1024xf32, #tpu.memory_space<hbm>>
    tpu.wait_dma2 semaphore(%arg12 : memref<!tpu.dma_semaphore, #tpu.memory_space<semaphore_mem>>) src(%arg6 : memref<32x1024xf32, #tpu.memory_space<vmem>>) dst(%dma_wait3A_38 : memref<32x1024xf32, #tpu.memory_space<hbm>>)
    %dma_start3A_39 = arith.constant 3 : i32
    %dma_start3A_40 = arith.constant 0 : i32
    %dma_start3A_41 = tpu.memref_slice %arg5[%dma_start3A_39, %dma_start3A_40] : memref<8x32xi32, #tpu.memory_space<vmem>> -> memref<1x32xi32, #tpu.memory_space<vmem>>
    %dma_start3A_42 = tpu.memref_squeeze %dma_start3A_41 : memref<1x32xi32, #tpu.memory_space<vmem>> -> memref<32xi32, #tpu.memory_space<vmem>>
    %dma_start3A_43 = arith.constant 0 : i32
    %dma_start3A_44 = arith.constant 0 : i32
    %dma_start3A_45 = tpu.memref_slice %arg2[%dma_start3A_43, %dma_start3A_44] : memref<100000x1024xf32, #tpu.memory_space<hbm>> -> memref<100000x1024xf32, #tpu.memory_space<hbm>>
    tpu.enqueue_indirect_dma source(%dma_start3A_45 : memref<100000x1024xf32, #tpu.memory_space<hbm>>) target(%arg6 : memref<32x1024xf32, #tpu.memory_space<vmem>>) offsets(%dma_start3A_42 : memref<32xi32, #tpu.memory_space<vmem>>) semaphore(%arg9 : memref<!tpu.dma_semaphore, #tpu.memory_space<semaphore_mem>>)
    %dma_wait3A_46 = arith.constant 1 : i32
    %dma_wait3A_47 = arith.constant 0 : i32
    %dma_wait3A_48 = tpu.memref_slice %arg5[%dma_wait3A_46, %dma_wait3A_47] : memref<8x32xi32, #tpu.memory_space<vmem>> -> memref<1x32xi32, #tpu.memory_space<vmem>>
    %dma_wait3A_49 = tpu.memref_squeeze %dma_wait3A_48 : memref<1x32xi32, #tpu.memory_space<vmem>> -> memref<32xi32, #tpu.memory_space<vmem>>
    %dma_wait3A_50 = arith.constant 0 : i32
    %dma_wait3A_51 = arith.constant 0 : i32
    %dma_wait3A_52 = tpu.memref_slice %arg2[%dma_wait3A_50, %dma_wait3A_51] : memref<100000x1024xf32, #tpu.memory_space<hbm>> -> memref<100000x1024xf32, #tpu.memory_space<hbm>>
    tpu.wait_indirect_dma semaphore(%arg10 : memref<!tpu.dma_semaphore, #tpu.memory_space<semaphore_mem>>) src(%dma_wait3A_52 : memref<100000x1024xf32, #tpu.memory_space<hbm>>) dst(%arg7 : memref<32x1024xf32, #tpu.memory_space<vmem>>)
    %add3A_53 = arith.constant 32 : i32
    %add3A_54 = arith.addi %mul3A_2, %add3A_53 : i32
    %dma_start3A_55 = arith.constant 0 : i32
    %dma_start3A_56 = tpu.memref_slice %arg4[%add3A_54, %dma_start3A_55] : memref<8192x1024xf32, #tpu.memory_space<hbm>> -> memref<32x1024xf32, #tpu.memory_space<hbm>>
    %dma_start3A_57 = arith.constant 0 : i32
    %dma_start3A_58 = tpu.memref_slice %arg4[%add3A_54, %dma_start3A_57] : memref<8192x1024xf32, #tpu.memory_space<hbm>> -> memref<32x1024xf32, #tpu.memory_space<hbm>>
    tpu.enqueue_dma source(%arg7 : memref<32x1024xf32, #tpu.memory_space<vmem>>) target(%dma_start3A_58 : memref<32x1024xf32, #tpu.memory_space<hbm>>) target_semaphore(%arg13 : memref<!tpu.dma_semaphore, #tpu.memory_space<semaphore_mem>>)
    %dma_wait3A_59 = arith.constant 0 : i32
    %dma_wait3A_60 = tpu.memref_slice %arg4[%add3A_54, %dma_wait3A_59] : memref<8192x1024xf32, #tpu.memory_space<hbm>> -> memref<32x1024xf32, #tpu.memory_space<hbm>>
    %dma_wait3A_61 = arith.constant 0 : i32
    %dma_wait3A_62 = tpu.memref_slice %arg4[%add3A_54, %dma_wait3A_61] : memref<8192x1024xf32, #tpu.memory_space<hbm>> -> memref<32x1024xf32, #tpu.memory_space<hbm>>
    tpu.wait_dma2 semaphore(%arg13 : memref<!tpu.dma_semaphore, #tpu.memory_space<semaphore_mem>>) src(%arg7 : memref<32x1024xf32, #tpu.memory_space<vmem>>) dst(%dma_wait3A_62 : memref<32x1024xf32, #tpu.memory_space<hbm>>)
    %dma_start3A_63 = arith.constant 4 : i32
    %dma_start3A_64 = arith.constant 0 : i32
    %dma_start3A_65 = tpu.memref_slice %arg5[%dma_start3A_63, %dma_start3A_64] : memref<8x32xi32, #tpu.memory_space<vmem>> -> memref<1x32xi32, #tpu.memory_space<vmem>>
    %dma_start3A_66 = tpu.memref_squeeze %dma_start3A_65 : memref<1x32xi32, #tpu.memory_space<vmem>> -> memref<32xi32, #tpu.memory_space<vmem>>
    %dma_start3A_67 = arith.constant 0 : i32
    %dma_start3A_68 = arith.constant 0 : i32
    %dma_start3A_69 = tpu.memref_slice %arg2[%dma_start3A_67, %dma_start3A_68] : memref<100000x1024xf32, #tpu.memory_space<hbm>> -> memref<100000x1024xf32, #tpu.memory_space<hbm>>
    tpu.enqueue_indirect_dma source(%dma_start3A_69 : memref<100000x1024xf32, #tpu.memory_space<hbm>>) target(%arg7 : memref<32x1024xf32, #tpu.memory_space<vmem>>) offsets(%dma_start3A_66 : memref<32xi32, #tpu.memory_space<vmem>>) semaphore(%arg10 : memref<!tpu.dma_semaphore, #tpu.memory_space<semaphore_mem>>)
    %dma_wait3A_70 = arith.constant 2 : i32
    %dma_wait3A_71 = arith.constant 0 : i32
    %dma_wait3A_72 = tpu.memref_slice %arg5[%dma_wait3A_70, %dma_wait3A_71] : memref<8x32xi32, #tpu.memory_space<vmem>> -> memref<1x32xi32, #tpu.memory_space<vmem>>
    %dma_wait3A_73 = tpu.memref_squeeze %dma_wait3A_72 : memref<1x32xi32, #tpu.memory_space<vmem>> -> memref<32xi32, #tpu.memory_space<vmem>>
    %dma_wait3A_74 = arith.constant 0 : i32
    %dma_wait3A_75 = arith.constant 0 : i32
    %dma_wait3A_76 = tpu.memref_slice %arg2[%dma_wait3A_74, %dma_wait3A_75] : memref<100000x1024xf32, #tpu.memory_space<hbm>> -> memref<100000x1024xf32, #tpu.memory_space<hbm>>
    tpu.wait_indirect_dma semaphore(%arg11 : memref<!tpu.dma_semaphore, #tpu.memory_space<semaphore_mem>>) src(%dma_wait3A_76 : memref<100000x1024xf32, #tpu.memory_space<hbm>>) dst(%arg8 : memref<32x1024xf32, #tpu.memory_space<vmem>>)
    %add3A_77 = arith.constant 64 : i32
    %add3A_78 = arith.addi %mul3A_2, %add3A_77 : i32
    %dma_start3A_79 = arith.constant 0 : i32
    %dma_start3A_80 = tpu.memref_slice %arg4[%add3A_78, %dma_start3A_79] : memref<8192x1024xf32, #tpu.memory_space<hbm>> -> memref<32x1024xf32, #tpu.memory_space<hbm>>
    %dma_start3A_81 = arith.constant 0 : i32
    %dma_start3A_82 = tpu.memref_slice %arg4[%add3A_78, %dma_start3A_81] : memref<8192x1024xf32, #tpu.memory_space<hbm>> -> memref<32x1024xf32, #tpu.memory_space<hbm>>
    tpu.enqueue_dma source(%arg8 : memref<32x1024xf32, #tpu.memory_space<vmem>>) target(%dma_start3A_82 : memref<32x1024xf32, #tpu.memory_space<hbm>>) target_semaphore(%arg14 : memref<!tpu.dma_semaphore, #tpu.memory_space<semaphore_mem>>)
    %dma_wait3A_83 = arith.constant 0 : i32
    %dma_wait3A_84 = tpu.memref_slice %arg4[%add3A_78, %dma_wait3A_83] : memref<8192x1024xf32, #tpu.memory_space<hbm>> -> memref<32x1024xf32, #tpu.memory_space<hbm>>
    %dma_wait3A_85 = arith.constant 0 : i32
    %dma_wait3A_86 = tpu.memref_slice %arg4[%add3A_78, %dma_wait3A_85] : memref<8192x1024xf32, #tpu.memory_space<hbm>> -> memref<32x1024xf32, #tpu.memory_space<hbm>>
    tpu.wait_dma2 semaphore(%arg14 : memref<!tpu.dma_semaphore, #tpu.memory_space<semaphore_mem>>) src(%arg8 : memref<32x1024xf32, #tpu.memory_space<vmem>>) dst(%dma_wait3A_86 : memref<32x1024xf32, #tpu.memory_space<hbm>>)
    %dma_start3A_87 = arith.constant 5 : i32
    %dma_start3A_88 = arith.constant 0 : i32
    %dma_start3A_89 = tpu.memref_slice %arg5[%dma_start3A_87, %dma_start3A_88] : memref<8x32xi32, #tpu.memory_space<vmem>> -> memref<1x32xi32, #tpu.memory_space<vmem>>
    %dma_start3A_90 = tpu.memref_squeeze %dma_start3A_89 : memref<1x32xi32, #tpu.memory_space<vmem>> -> memref<32xi32, #tpu.memory_space<vmem>>
    %dma_start3A_91 = arith.constant 0 : i32
    %dma_start3A_92 = arith.constant 0 : i32
    %dma_start3A_93 = tpu.memref_slice %arg2[%dma_start3A_91, %dma_start3A_92] : memref<100000x1024xf32, #tpu.memory_space<hbm>> -> memref<100000x1024xf32, #tpu.memory_space<hbm>>
    tpu.enqueue_indirect_dma source(%dma_start3A_93 : memref<100000x1024xf32, #tpu.memory_space<hbm>>) target(%arg8 : memref<32x1024xf32, #tpu.memory_space<vmem>>) offsets(%dma_start3A_90 : memref<32xi32, #tpu.memory_space<vmem>>) semaphore(%arg11 : memref<!tpu.dma_semaphore, #tpu.memory_space<semaphore_mem>>)
    %dma_wait3A_94 = arith.constant 3 : i32
    %dma_wait3A_95 = arith.constant 0 : i32
    %dma_wait3A_96 = tpu.memref_slice %arg5[%dma_wait3A_94, %dma_wait3A_95] : memref<8x32xi32, #tpu.memory_space<vmem>> -> memref<1x32xi32, #tpu.memory_space<vmem>>
    %dma_wait3A_97 = tpu.memref_squeeze %dma_wait3A_96 : memref<1x32xi32, #tpu.memory_space<vmem>> -> memref<32xi32, #tpu.memory_space<vmem>>
    %dma_wait3A_98 = arith.constant 0 : i32
    %dma_wait3A_99 = arith.constant 0 : i32
    %dma_wait3A_100 = tpu.memref_slice %arg2[%dma_wait3A_98, %dma_wait3A_99] : memref<100000x1024xf32, #tpu.memory_space<hbm>> -> memref<100000x1024xf32, #tpu.memory_space<hbm>>
    tpu.wait_indirect_dma semaphore(%arg9 : memref<!tpu.dma_semaphore, #tpu.memory_space<semaphore_mem>>) src(%dma_wait3A_100 : memref<100000x1024xf32, #tpu.memory_space<hbm>>) dst(%arg6 : memref<32x1024xf32, #tpu.memory_space<vmem>>)
    %add3A_101 = arith.constant 96 : i32
    %add3A_102 = arith.addi %mul3A_2, %add3A_101 : i32
    %dma_start3A_103 = arith.constant 0 : i32
    %dma_start3A_104 = tpu.memref_slice %arg4[%add3A_102, %dma_start3A_103] : memref<8192x1024xf32, #tpu.memory_space<hbm>> -> memref<32x1024xf32, #tpu.memory_space<hbm>>
    %dma_start3A_105 = arith.constant 0 : i32
    %dma_start3A_106 = tpu.memref_slice %arg4[%add3A_102, %dma_start3A_105] : memref<8192x1024xf32, #tpu.memory_space<hbm>> -> memref<32x1024xf32, #tpu.memory_space<hbm>>
    tpu.enqueue_dma source(%arg6 : memref<32x1024xf32, #tpu.memory_space<vmem>>) target(%dma_start3A_106 : memref<32x1024xf32, #tpu.memory_space<hbm>>) target_semaphore(%arg12 : memref<!tpu.dma_semaphore, #tpu.memory_space<semaphore_mem>>)
    %dma_wait3A_107 = arith.constant 0 : i32
    %dma_wait3A_108 = tpu.memref_slice %arg4[%add3A_102, %dma_wait3A_107] : memref<8192x1024xf32, #tpu.memory_space<hbm>> -> memref<32x1024xf32, #tpu.memory_space<hbm>>
    %dma_wait3A_109 = arith.constant 0 : i32
    %dma_wait3A_110 = tpu.memref_slice %arg4[%add3A_102, %dma_wait3A_109] : memref<8192x1024xf32, #tpu.memory_space<hbm>> -> memref<32x1024xf32, #tpu.memory_space<hbm>>
    tpu.wait_dma2 semaphore(%arg12 : memref<!tpu.dma_semaphore, #tpu.memory_space<semaphore_mem>>) src(%arg6 : memref<32x1024xf32, #tpu.memory_space<vmem>>) dst(%dma_wait3A_110 : memref<32x1024xf32, #tpu.memory_space<hbm>>)
    %dma_start3A_111 = arith.constant 6 : i32
    %dma_start3A_112 = arith.constant 0 : i32
    %dma_start3A_113 = tpu.memref_slice %arg5[%dma_start3A_111, %dma_start3A_112] : memref<8x32xi32, #tpu.memory_space<vmem>> -> memref<1x32xi32, #tpu.memory_space<vmem>>
    %dma_start3A_114 = tpu.memref_squeeze %dma_start3A_113 : memref<1x32xi32, #tpu.memory_space<vmem>> -> memref<32xi32, #tpu.memory_space<vmem>>
    %dma_start3A_115 = arith.constant 0 : i32
    %dma_start3A_116 = arith.constant 0 : i32
    %dma_start3A_117 = tpu.memref_slice %arg2[%dma_start3A_115, %dma_start3A_116] : memref<100000x1024xf32, #tpu.memory_space<hbm>> -> memref<100000x1024xf32, #tpu.memory_space<hbm>>
    tpu.enqueue_indirect_dma source(%dma_start3A_117 : memref<100000x1024xf32, #tpu.memory_space<hbm>>) target(%arg6 : memref<32x1024xf32, #tpu.memory_space<vmem>>) offsets(%dma_start3A_114 : memref<32xi32, #tpu.memory_space<vmem>>) semaphore(%arg9 : memref<!tpu.dma_semaphore, #tpu.memory_space<semaphore_mem>>)
    %dma_wait3A_118 = arith.constant 4 : i32
    %dma_wait3A_119 = arith.constant 0 : i32
    %dma_wait3A_120 = tpu.memref_slice %arg5[%dma_wait3A_118, %dma_wait3A_119] : memref<8x32xi32, #tpu.memory_space<vmem>> -> memref<1x32xi32, #tpu.memory_space<vmem>>
    %dma_wait3A_121 = tpu.memref_squeeze %dma_wait3A_120 : memref<1x32xi32, #tpu.memory_space<vmem>> -> memref<32xi32, #tpu.memory_space<vmem>>
    %dma_wait3A_122 = arith.constant 0 : i32
    %dma_wait3A_123 = arith.constant 0 : i32
    %dma_wait3A_124 = tpu.memref_slice %arg2[%dma_wait3A_122, %dma_wait3A_123] : memref<100000x1024xf32, #tpu.memory_space<hbm>> -> memref<100000x1024xf32, #tpu.memory_space<hbm>>
    tpu.wait_indirect_dma semaphore(%arg10 : memref<!tpu.dma_semaphore, #tpu.memory_space<semaphore_mem>>) src(%dma_wait3A_124 : memref<100000x1024xf32, #tpu.memory_space<hbm>>) dst(%arg7 : memref<32x1024xf32, #tpu.memory_space<vmem>>)
    %add3A_125 = arith.constant 128 : i32
    %add3A_126 = arith.addi %mul3A_2, %add3A_125 : i32
    %dma_start3A_127 = arith.constant 0 : i32
    %dma_start3A_128 = tpu.memref_slice %arg4[%add3A_126, %dma_start3A_127] : memref<8192x1024xf32, #tpu.memory_space<hbm>> -> memref<32x1024xf32, #tpu.memory_space<hbm>>
    %dma_start3A_129 = arith.constant 0 : i32
    %dma_start3A_130 = tpu.memref_slice %arg4[%add3A_126, %dma_start3A_129] : memref<8192x1024xf32, #tpu.memory_space<hbm>> -> memref<32x1024xf32, #tpu.memory_space<hbm>>
    tpu.enqueue_dma source(%arg7 : memref<32x1024xf32, #tpu.memory_space<vmem>>) target(%dma_start3A_130 : memref<32x1024xf32, #tpu.memory_space<hbm>>) target_semaphore(%arg13 : memref<!tpu.dma_semaphore, #tpu.memory_space<semaphore_mem>>)
    %dma_wait3A_131 = arith.constant 0 : i32
    %dma_wait3A_132 = tpu.memref_slice %arg4[%add3A_126, %dma_wait3A_131] : memref<8192x1024xf32, #tpu.memory_space<hbm>> -> memref<32x1024xf32, #tpu.memory_space<hbm>>
    %dma_wait3A_133 = arith.constant 0 : i32
    %dma_wait3A_134 = tpu.memref_slice %arg4[%add3A_126, %dma_wait3A_133] : memref<8192x1024xf32, #tpu.memory_space<hbm>> -> memref<32x1024xf32, #tpu.memory_space<hbm>>
    tpu.wait_dma2 semaphore(%arg13 : memref<!tpu.dma_semaphore, #tpu.memory_space<semaphore_mem>>) src(%arg7 : memref<32x1024xf32, #tpu.memory_space<vmem>>) dst(%dma_wait3A_134 : memref<32x1024xf32, #tpu.memory_space<hbm>>)
    %dma_start3A_135 = arith.constant 7 : i32
    %dma_start3A_136 = arith.constant 0 : i32
    %dma_start3A_137 = tpu.memref_slice %arg5[%dma_start3A_135, %dma_start3A_136] : memref<8x32xi32, #tpu.memory_space<vmem>> -> memref<1x32xi32, #tpu.memory_space<vmem>>
    %dma_start3A_138 = tpu.memref_squeeze %dma_start3A_137 : memref<1x32xi32, #tpu.memory_space<vmem>> -> memref<32xi32, #tpu.memory_space<vmem>>
    %dma_start3A_139 = arith.constant 0 : i32
    %dma_start3A_140 = arith.constant 0 : i32
    %dma_start3A_141 = tpu.memref_slice %arg2[%dma_start3A_139, %dma_start3A_140] : memref<100000x1024xf32, #tpu.memory_space<hbm>> -> memref<100000x1024xf32, #tpu.memory_space<hbm>>
    tpu.enqueue_indirect_dma source(%dma_start3A_141 : memref<100000x1024xf32, #tpu.memory_space<hbm>>) target(%arg7 : memref<32x1024xf32, #tpu.memory_space<vmem>>) offsets(%dma_start3A_138 : memref<32xi32, #tpu.memory_space<vmem>>) semaphore(%arg10 : memref<!tpu.dma_semaphore, #tpu.memory_space<semaphore_mem>>)
    %dma_wait3A_142 = arith.constant 5 : i32
    %dma_wait3A_143 = arith.constant 0 : i32
    %dma_wait3A_144 = tpu.memref_slice %arg5[%dma_wait3A_142, %dma_wait3A_143] : memref<8x32xi32, #tpu.memory_space<vmem>> -> memref<1x32xi32, #tpu.memory_space<vmem>>
    %dma_wait3A_145 = tpu.memref_squeeze %dma_wait3A_144 : memref<1x32xi32, #tpu.memory_space<vmem>> -> memref<32xi32, #tpu.memory_space<vmem>>
    %dma_wait3A_146 = arith.constant 0 : i32
    %dma_wait3A_147 = arith.constant 0 : i32
    %dma_wait3A_148 = tpu.memref_slice %arg2[%dma_wait3A_146, %dma_wait3A_147] : memref<100000x1024xf32, #tpu.memory_space<hbm>> -> memref<100000x1024xf32, #tpu.memory_space<hbm>>
    tpu.wait_indirect_dma semaphore(%arg11 : memref<!tpu.dma_semaphore, #tpu.memory_space<semaphore_mem>>) src(%dma_wait3A_148 : memref<100000x1024xf32, #tpu.memory_space<hbm>>) dst(%arg8 : memref<32x1024xf32, #tpu.memory_space<vmem>>)
    %add3A_149 = arith.constant 160 : i32
    %add3A_150 = arith.addi %mul3A_2, %add3A_149 : i32
    %dma_start3A_151 = arith.constant 0 : i32
    %dma_start3A_152 = tpu.memref_slice %arg4[%add3A_150, %dma_start3A_151] : memref<8192x1024xf32, #tpu.memory_space<hbm>> -> memref<32x1024xf32, #tpu.memory_space<hbm>>
    %dma_start3A_153 = arith.constant 0 : i32
    %dma_start3A_154 = tpu.memref_slice %arg4[%add3A_150, %dma_start3A_153] : memref<8192x1024xf32, #tpu.memory_space<hbm>> -> memref<32x1024xf32, #tpu.memory_space<hbm>>
    tpu.enqueue_dma source(%arg8 : memref<32x1024xf32, #tpu.memory_space<vmem>>) target(%dma_start3A_154 : memref<32x1024xf32, #tpu.memory_space<hbm>>) target_semaphore(%arg14 : memref<!tpu.dma_semaphore, #tpu.memory_space<semaphore_mem>>)
    %dma_wait3A_155 = arith.constant 6 : i32
    %dma_wait3A_156 = arith.constant 0 : i32
    %dma_wait3A_157 = tpu.memref_slice %arg5[%dma_wait3A_155, %dma_wait3A_156] : memref<8x32xi32, #tpu.memory_space<vmem>> -> memref<1x32xi32, #tpu.memory_space<vmem>>
    %dma_wait3A_158 = tpu.memref_squeeze %dma_wait3A_157 : memref<1x32xi32, #tpu.memory_space<vmem>> -> memref<32xi32, #tpu.memory_space<vmem>>
    %dma_wait3A_159 = arith.constant 0 : i32
    %dma_wait3A_160 = arith.constant 0 : i32
    %dma_wait3A_161 = tpu.memref_slice %arg2[%dma_wait3A_159, %dma_wait3A_160] : memref<100000x1024xf32, #tpu.memory_space<hbm>> -> memref<100000x1024xf32, #tpu.memory_space<hbm>>
    tpu.wait_indirect_dma semaphore(%arg9 : memref<!tpu.dma_semaphore, #tpu.memory_space<semaphore_mem>>) src(%dma_wait3A_161 : memref<100000x1024xf32, #tpu.memory_space<hbm>>) dst(%arg6 : memref<32x1024xf32, #tpu.memory_space<vmem>>)
    %add3A_162 = arith.constant 192 : i32
    %add3A_163 = arith.addi %mul3A_2, %add3A_162 : i32
    %dma_start3A_164 = arith.constant 0 : i32
    %dma_start3A_165 = tpu.memref_slice %arg4[%add3A_163, %dma_start3A_164] : memref<8192x1024xf32, #tpu.memory_space<hbm>> -> memref<32x1024xf32, #tpu.memory_space<hbm>>
    %dma_start3A_166 = arith.constant 0 : i32
    %dma_start3A_167 = tpu.memref_slice %arg4[%add3A_163, %dma_start3A_166] : memref<8192x1024xf32, #tpu.memory_space<hbm>> -> memref<32x1024xf32, #tpu.memory_space<hbm>>
    tpu.enqueue_dma source(%arg6 : memref<32x1024xf32, #tpu.memory_space<vmem>>) target(%dma_start3A_167 : memref<32x1024xf32, #tpu.memory_space<hbm>>) target_semaphore(%arg12 : memref<!tpu.dma_semaphore, #tpu.memory_space<semaphore_mem>>)
    %dma_wait3A_168 = arith.constant 7 : i32
    %dma_wait3A_169 = arith.constant 0 : i32
    %dma_wait3A_170 = tpu.memref_slice %arg5[%dma_wait3A_168, %dma_wait3A_169] : memref<8x32xi32, #tpu.memory_space<vmem>> -> memref<1x32xi32, #tpu.memory_space<vmem>>
    %dma_wait3A_171 = tpu.memref_squeeze %dma_wait3A_170 : memref<1x32xi32, #tpu.memory_space<vmem>> -> memref<32xi32, #tpu.memory_space<vmem>>
    %dma_wait3A_172 = arith.constant 0 : i32
    %dma_wait3A_173 = arith.constant 0 : i32
    %dma_wait3A_174 = tpu.memref_slice %arg2[%dma_wait3A_172, %dma_wait3A_173] : memref<100000x1024xf32, #tpu.memory_space<hbm>> -> memref<100000x1024xf32, #tpu.memory_space<hbm>>
    tpu.wait_indirect_dma semaphore(%arg10 : memref<!tpu.dma_semaphore, #tpu.memory_space<semaphore_mem>>) src(%dma_wait3A_174 : memref<100000x1024xf32, #tpu.memory_space<hbm>>) dst(%arg7 : memref<32x1024xf32, #tpu.memory_space<vmem>>)
    %add3A_175 = arith.constant 224 : i32
    %add3A_176 = arith.addi %mul3A_2, %add3A_175 : i32
    %dma_start3A_177 = arith.constant 0 : i32
    %dma_start3A_178 = tpu.memref_slice %arg4[%add3A_176, %dma_start3A_177] : memref<8192x1024xf32, #tpu.memory_space<hbm>> -> memref<32x1024xf32, #tpu.memory_space<hbm>>
    %dma_start3A_179 = arith.constant 0 : i32
    %dma_start3A_180 = tpu.memref_slice %arg4[%add3A_176, %dma_start3A_179] : memref<8192x1024xf32, #tpu.memory_space<hbm>> -> memref<32x1024xf32, #tpu.memory_space<hbm>>
    tpu.enqueue_dma source(%arg7 : memref<32x1024xf32, #tpu.memory_space<vmem>>) target(%dma_start3A_180 : memref<32x1024xf32, #tpu.memory_space<hbm>>) target_semaphore(%arg13 : memref<!tpu.dma_semaphore, #tpu.memory_space<semaphore_mem>>)
    %dma_wait3A_181 = arith.constant 0 : i32
    %dma_wait3A_182 = tpu.memref_slice %arg4[%add3A_163, %dma_wait3A_181] : memref<8192x1024xf32, #tpu.memory_space<hbm>> -> memref<32x1024xf32, #tpu.memory_space<hbm>>
    %dma_wait3A_183 = arith.constant 0 : i32
    %dma_wait3A_184 = tpu.memref_slice %arg4[%add3A_163, %dma_wait3A_183] : memref<8192x1024xf32, #tpu.memory_space<hbm>> -> memref<32x1024xf32, #tpu.memory_space<hbm>>
    tpu.wait_dma2 semaphore(%arg12 : memref<!tpu.dma_semaphore, #tpu.memory_space<semaphore_mem>>) src(%arg6 : memref<32x1024xf32, #tpu.memory_space<vmem>>) dst(%dma_wait3A_184 : memref<32x1024xf32, #tpu.memory_space<hbm>>)
    %dma_wait3A_185 = arith.constant 0 : i32
    %dma_wait3A_186 = tpu.memref_slice %arg4[%add3A_176, %dma_wait3A_185] : memref<8192x1024xf32, #tpu.memory_space<hbm>> -> memref<32x1024xf32, #tpu.memory_space<hbm>>
    %dma_wait3A_187 = arith.constant 0 : i32
    %dma_wait3A_188 = tpu.memref_slice %arg4[%add3A_176, %dma_wait3A_187] : memref<8192x1024xf32, #tpu.memory_space<hbm>> -> memref<32x1024xf32, #tpu.memory_space<hbm>>
    tpu.wait_dma2 semaphore(%arg13 : memref<!tpu.dma_semaphore, #tpu.memory_space<semaphore_mem>>) src(%arg7 : memref<32x1024xf32, #tpu.memory_space<vmem>>) dst(%dma_wait3A_188 : memref<32x1024xf32, #tpu.memory_space<hbm>>)
    %dma_wait3A_189 = arith.constant 0 : i32
    %dma_wait3A_190 = tpu.memref_slice %arg4[%add3A_150, %dma_wait3A_189] : memref<8192x1024xf32, #tpu.memory_space<hbm>> -> memref<32x1024xf32, #tpu.memory_space<hbm>>
    %dma_wait3A_191 = arith.constant 0 : i32
    %dma_wait3A_192 = tpu.memref_slice %arg4[%add3A_150, %dma_wait3A_191] : memref<8192x1024xf32, #tpu.memory_space<hbm>> -> memref<32x1024xf32, #tpu.memory_space<hbm>>
    tpu.wait_dma2 semaphore(%arg14 : memref<!tpu.dma_semaphore, #tpu.memory_space<semaphore_mem>>) src(%arg8 : memref<32x1024xf32, #tpu.memory_space<vmem>>) dst(%dma_wait3A_192 : memref<32x1024xf32, #tpu.memory_space<hbm>>)
    return
  }
}

module attributes {stable_mosaic.version = 14 : i64} {
  func.func @_fma_body(%arg0: i32, %arg1: i32, %arg2: memref<2048x1024xf32, #tpu.memory_space<vmem>>, %arg3: memref<2048x1024xf32, #tpu.memory_space<vmem>>, %arg4: memref<2048x1024xf32, #tpu.memory_space<vmem>>) attributes {dimension_semantics = [#tpu.dimension_semantics<arbitrary>, #tpu.dimension_semantics<arbitrary>], iteration_bounds = array<i64: 1, 4>, scalar_prefetch = 0 : i64, scratch_operands = 0 : i64, tpu.core_type = #tpu.core_type<tc>, window_params = [{transform_indices = @transform_0, window_bounds = array<i64: 2048, 1024>}, {transform_indices = @transform_1, window_bounds = array<i64: 2048, 1024>}, {transform_indices = @transform_2, window_bounds = array<i64: 2048, 1024>}]} {
    %get3A = arith.constant 0 : index
    %get3A_0 = arith.constant 0 : index
    %get3A_1 = vector.load %arg2[%get3A, %get3A_0] : memref<2048x1024xf32, #tpu.memory_space<vmem>>, vector<2048x1024xf32>
    %mul3A = arith.constant 3.200000e+01 : f32
    %mul3A_2 = vector.broadcast %mul3A : f32 to vector<2048x1024xf32>
    %mul3A_3 = arith.mulf %get3A_1, %mul3A_2 : vector<2048x1024xf32>
    %get3A_4 = arith.constant 0 : index
    %get3A_5 = arith.constant 0 : index
    %get3A_6 = vector.load %arg3[%get3A_4, %get3A_5] : memref<2048x1024xf32, #tpu.memory_space<vmem>>, vector<2048x1024xf32>
    %add3A = arith.addf %mul3A_3, %get3A_6 : vector<2048x1024xf32>
    %swap3A = arith.constant 0 : index
    %swap3A_7 = arith.constant 0 : index
    %swap3A_8 = vector.load %arg4[%swap3A, %swap3A_7] : memref<2048x1024xf32, #tpu.memory_space<vmem>>, vector<2048x1024xf32>
    tpu.vector_store %arg4[%swap3A, %swap3A_7], %add3A {strides = array<i32>} : memref<2048x1024xf32, #tpu.memory_space<vmem>>, vector<2048x1024xf32>,
    return
  }
  func.func @transform_0(%arg0: i32, %arg1: i32) -> (i32, i32) {
    %mul3A = arith.constant 1 : i32
    %mul3A_0 = arith.muli %arg1, %mul3A : i32
    %add3A = arith.addi %mul3A_0, %arg0 : i32
    %c0_i32 = arith.constant 0 : i32
    %c0_i32_1 = arith.constant 0 : i32
    return %add3A, %c0_i32 : i32, i32
  }
  func.func @transform_1(%arg0: i32, %arg1: i32) -> (i32, i32) {
    %c0_i32 = arith.constant 0 : i32
    %c0_i32_0 = arith.constant 0 : i32
    return %arg0, %c0_i32 : i32, i32
  }
  func.func @transform_2(%arg0: i32, %arg1: i32) -> (i32, i32) {
    %mul3A = arith.constant 1 : i32
    %mul3A_0 = arith.muli %arg1, %mul3A : i32
    %add3A = arith.addi %mul3A_0, %arg0 : i32
    %c0_i32 = arith.constant 0 : i32
    %c0_i32_1 = arith.constant 0 : i32
    return %add3A, %c0_i32 : i32, i32
  }
}

</mosaic_0001>

<sc_bundles>
// kernel: kernel.4.cloned.1.call-start
scs
__scs_entry_jumppad:
0x0: {  	(pc) =	sbr.rel $0x88, $3  }
0x1: {  	(tag) =	ssettag $0x0;
	lr =	simm.s32 $0x1  }
0x2: {  	[smem:$0x3F9F] =	sst lr;
	_ =	strace $0xD0000000  }
0x3: {  	_ = 	snop  }
0x4: {  	_ = 	snop  }
0x5: {  	_ = 	snop  }
0x6: {  	_ = 	snop  }
0x7: {  	_ = 	snop  }
__scs_overlays_trampoline_lowered:
0x8: {  	[smem:$0x3FAE] =	sst s0  }
0x9: {  	[smem:$0x3FAF] =	sst s1  }
0xa: {  	[smem:$0x3FB0] =	sst s2  }
0xb: {  	[smem:$0x3FB1] =	sst s3  }
0xc: {  	[smem:$0x3FB2] =	sst s4  }
0xd: {  	[smem:$0x3FB3] =	sst s5  }
0xe: {  	[smem:$0x3FB4] =	sst s6  }
0xf: {  	[smem:$0x3FB5] =	sst s7  }
0x10: {  	[smem:$0x3FB6] =	sst s8  }
0x11: {  	[smem:$0x3FB7] =	sst s9;
	s0 =	simm.s32 @!p0 $0x0  }
0x12: {  	s1 =	sld [smem:$0x3F9D];
	s0 =	simm.s32 @p0 $0x1  }
0x13: {  	[smem:$0x3FB8] =	sst s0;
	s0 =	simm.s32 @!p1 $0x0  }
0x14: {  	s2 =	sld [smem:$0x3F9C];
	s0 =	simm.s32 @p1 $0x1  }
0x15: {  	[smem:$0x3FB9] =	sst s0;
	s0 =	simm.s32 @!p2 $0x0  }
0x16: {  	s3 =	sld [smem:$0x3FDB];
	s0 =	simm.s32 @p2 $0x1  }
0x17: {  	s4 =	simm.s32 $0x1BF5;
	[smem:$0x3FBB] =	sst s0  }
0x18: {  	s0 =	sld [smem:$0x3F9E];
	_ =	swait.ge [sflag:s4], $0x0  }
0x19: {  	s7 =	sld [smem:$0x3F9F]  }
0x1a: {  	s8 =	sadd.s32 $0xFFFFE003, lr  }
0x1b: {  	s9 =	sadd.s32 $0xFFFFFEF7, lr;
	s5 =	simm.s32 $0xFFFFFFFF;
	p2 =	slt.u32 s8, $0xFFFFF086  }
0x1c: {  	p1 =	slt.u32 s9, $0xF7A;
	s5 =	simm.s32 @!p2 $0x0  }
0x1d: {  	s5 =	simm.s32 @p1 $0x1;
	p0 =	seq.s32 s7, s2  }
0x1e: {  	s7 =	smul.u32 @!p0 $0xF7A, s2;
	p2 =	seq.s32 @!p0 s5, $0x0  }
0x1f: {  	s9 =	smul.u32 $0xF7A, s1;
	s8 =	simm.s32 @!p0 $0x1BF5;
	p2 =	por !p2, p0  }
0x20: {  	[sflag:s8] =	ssyncset.s32 @!p0 $0xFFFFF086;
	s6 =	sadd.s32 @!p0 s3, s7;
	s7 =	simm.s32 @!p0 $0x108  }
0x21: {  	s3 =	sadd.s32 s3, s9;
	s6 =	sadd.s32 @!p0 $0x88, s6;
	s7 =	simm.s32 @p2 $0x1082  }
0x22: {  	[simem:s7], [sflag:s8] =	dma.local @!p0 [hbm:s6], $0xF7A  }
0x23: {  	s9 =	sor.u32 $0xD0000000, s2;
	s6 =	simm.s32 $0x108;
	_ =	swait.ge @!p0 [sflag:s8], $0x0  }
0x24: {  	s3 =	sadd.s32 $0x88, s3;
	s6 =	simm.s32 @!p1 $0x1082;
	[sflag:s4] =	ssyncset.s32 $0xFFFFF086  }
0x25: {  	[simem:s6], [sflag:s4] =	dma.local [hbm:s3], $0xF7A  }
0x26: {  	[smem:$0x3F9F] =	sst s1;
	(tag) =	ssettag s2;
	_ =	strace s9  }
0x27: {  	s1 =	sld [smem:$0x3FAF]  }
0x28: {  	s2 =	sld [smem:$0x3FB0]  }
0x29: {  	s4 =	sld [smem:$0x3FB2]  }
0x2a: {  	p0 =	seq.s32 s5, $0x0;
	s5 =	sld [smem:$0x3FB3]  }
0x2b: {  	s6 =	sld [smem:$0x3FB4]  }
0x2c: {  	s7 =	sld [smem:$0x3FB5]  }
0x2d: {  	s3 =	simm.s32 $0x108;
	s8 =	sld [smem:$0x3FB6]  }
0x2e: {  	s3 =	simm.s32 @!p0 $0x1082;
	s9 =	sld [smem:$0x3FB7]  }
0x2f: {  	lr =	sadd.s32 s0, s3;
	s0 =	sld [smem:$0x3FAE]  }
0x30: {  	s3 =	sld [smem:$0x3FB1]  }
0x31: {  	[smem:$0x3FBA] =	sst s10  }
0x32: {  	s10 =	sld [smem:$0x3FB8];
	_ =	sdelay $0x3  }
0x33: {  	p0 =	seq.s32 s10, $0x1;
	s10 =	sld [smem:$0x3FBA];
	_ =	sdelay $0x3  }
0x34: {  	[smem:$0x3FBA] =	sst s10  }
0x35: {  	s10 =	sld [smem:$0x3FB9];
	_ =	sdelay $0x3  }
0x36: {  	p1 =	seq.s32 s10, $0x1;
	s10 =	sld [smem:$0x3FBA];
	_ =	sdelay $0x3  }
0x37: {  	[smem:$0x3FBA] =	sst s10  }
0x38: {  	s10 =	sld [smem:$0x3FBB]  }
0x39: {  	_ = 	snop;
	(pc) =	sbr.ind lr, $3  }
0x3a: {  	_ = 	snop  }
0x3b: {  	_ = 	snop  }
0x3c: {  	p2 =	seq.s32 s10, $0x1;
	s10 =	sld [smem:$0x3FBA]  }
0x3d: {  	_ =	shalt  }
0x3e: {  	_ =	shalt  }
0x3f: {  	_ =	shalt  }
0x40: {  	_ =	shalt  }
0x41: {  	_ =	shalt  }
0x42: {  	_ =	shalt  }
0x43: {  	_ =	shalt  }
0x44: {  	_ =	shalt  }
0x45: {  	_ =	shalt  }
0x46: {  	_ =	shalt  }
0x47: {  	_ =	shalt  }
0x48: {  	_ =	shalt  }
0x49: {  	_ =	shalt  }
0x4a: {  	_ =	shalt  }
0x4b: {  	_ =	shalt  }
0x4c: {  	_ =	shalt  }
0x4d: {  	_ =	shalt  }
0x4e: {  	_ =	shalt  }
0x4f: {  	_ =	shalt  }
0x50: {  	_ =	shalt  }
0x51: {  	_ =	shalt  }
0x52: {  	_ =	shalt  }
0x53: {  	_ =	shalt  }
0x54: {  	_ =	shalt  }
0x55: {  	_ =	shalt  }
0x56: {  	_ =	shalt  }
0x57: {  	_ =	shalt  }
0x58: {  	_ =	shalt  }
0x59: {  	_ =	shalt  }
0x5a: {  	_ =	shalt  }
0x5b: {  	_ =	shalt  }
0x5c: {  	_ =	shalt  }
0x5d: {  	_ =	shalt  }
0x5e: {  	_ =	shalt  }
0x5f: {  	_ =	shalt  }
0x60: {  	_ =	shalt  }
0x61: {  	_ =	shalt  }
0x62: {  	_ =	shalt  }
0x63: {  	_ =	shalt  }
0x64: {  	_ =	shalt  }
0x65: {  	_ =	shalt  }
0x66: {  	_ =	shalt  }
0x67: {  	_ =	shalt  }
0x68: {  	_ =	shalt  }
0x69: {  	_ =	shalt  }
0x6a: {  	_ =	shalt  }
0x6b: {  	_ =	shalt  }
0x6c: {  	_ =	shalt  }
0x6d: {  	_ =	shalt  }
0x6e: {  	_ =	shalt  }
0x6f: {  	_ =	shalt  }
0x70: {  	_ =	shalt  }
0x71: {  	_ =	shalt  }
0x72: {  	_ =	shalt  }
0x73: {  	_ =	shalt  }
0x74: {  	_ =	shalt  }
0x75: {  	_ =	shalt  }
0x76: {  	_ =	shalt  }
0x77: {  	_ =	shalt  }
0x78: {  	_ =	shalt  }
0x79: {  	_ =	shalt  }
0x7a: {  	_ =	shalt  }
0x7b: {  	_ =	shalt  }
0x7c: {  	_ =	shalt  }
0x7d: {  	_ =	shalt  }
0x7e: {  	_ =	shalt  }
0x7f: {  	_ =	shalt  }
0x80: {  	_ =	shalt  }
0x81: {  	_ =	shalt  }
0x82: {  	_ =	shalt  }
0x83: {  	_ =	shalt  }
0x84: {  	_ =	shalt  }
0x85: {  	_ =	shalt  }
0x86: {  	_ =	shalt  }
0x87: {  	_ =	shalt  }
.Lfunc_end0:
.L_simem_size_0:
called_computation_lowered:
.L_overlay_start_0:
0x88: {  	s2 =	sld [smem:$0x3FD9]  }
0x89: {  	s3 =	sld [smem:$0x3FFE];
	_ =	sdelay $0x1  }
0x8a: {  	s1 =	srdreg.scid  }
0x8b: {  	s0 =	sand.u32 $0x1, s1  }
0x8c: {  	s17 =	sshll.u32 s0, $0xA;
	s2 =	sadd.s32 s3, s2  }
0x8d: {  	s2 =	sadd.s32 s2, s17  }
0x8e: {  	[smem:$0x3FC6] =	sst s2  }
0x8f: {  	_ = 	snop  }
0x90: {  	s2 =	sld [smem:$0x3FC8]  }
0x91: {  	s18 =	sld [smem:$0x3FD0];
	(tm) =	ssettm $0x1  }
0x92: {  	s4 =	sld [smem:$0x3FFB];
	_ =	sdelay $0x3  }
0x93: {  	_ =	strace s4  }
0x94: {  	s4 =	sld [smem:$0x3FFC];
	_ =	sdelay $0x3  }
0x95: {  	_ =	strace s4  }
0x96: {  	s4 =	sld [smem:$0x3FFD];
	_ =	sdelay $0x3  }
0x97: {  	_ =	strace s4  }
0x98: {  	_ =	strace $0x8FFFFFFF  }
0x99: {  	s19 =	sld [smem:$0x3FDB];
	_ =	sdelay $0x1  }
0x9a: {  	s5 =	simm.s32 $_scs_section_size  }
0x9b: {  	s6 =	simm.s32 $_size__tile_overlayer_lowered;
	s7 =	simm.s32 $_tile_overlayer_lowered  }
0x9c: {  	s22 =	simm.s32 $0x1BFF;
	s21 =	sshll.u32 s7, $0x1;
	s4 =	sadd.s32 s5, s19  }
0x9d: {  	s8 =	simm.s32 $0x0;
	s20 =	sshll.u32 s6, $0x1;
	s6 =	sadd.s32 s21, s4  }
0x9e: {  	[timem:s8], [sflag:s22] =	dma.local [hbm:s6], s20  }
0x9f: {  	_ =	swait.ge [sflag:s22], s20  }
0xa0: {  	s5 =	ssub.s32 $0x0, s20;
	[sflag:s22] =	ssyncset.done $0x0  }
0xa1: {  	[sflag:s22] =	ssyncadd.s32 s5;
	_ =	sdelay $0x1  }
0xa2: {  	s23 =	simm.s32 $0x1B8B  }
0xa3: {  	_ =	swait.ge [sflag:s23], $0x1  }
0xa4: {  	[sflag:s23] =	ssyncset.done $0x0  }
0xa5: {  	s25 =	simm.s32 $0x1B8E;
	s24 =	sld [smem:$0x3FFE];
	[sflag:s23] =	ssyncadd.s32 $0xFFFFFFFF  }
0xa6: {  	s26 =	simm.s32 $execute0_lowered;
	[smem:$0x3FD2] =	sst s25  }
0xa7: {  	s6 =	sshll.u32 s26, $0x1;
	_ =	strace $0x80000046;
	[dreg:$0x1] =	wrdreg $0xFFFFFFFF  }
0xa8: {  	s28 =	simm.s32 $_size_execute0_lowered;
	s4 =	sadd.s32 s4, s6;
	[dreg:$0x0] =	wrdreg $0x0  }
0xa9: {  	s6 =	sshll.u32 s28, $0x1;
	[dreg:$0x2] =	wrdreg s4  }
0xaa: {  	[dreg:$0x3] =	wrdreg s6  }
0xab: {  	[dreg:$0x4] =	wrdreg $0xC0  }
0xac: {  	_ =	task [dreg:s8], $0x5FFFF  }
0xad: {  	[dreg:$0x1] =	wrdreg $0xFFFFFFFF  }
0xae: {  	[dreg:$0x0] =	wrdreg $0x60  }
0xaf: {  	[dreg:$0x2] =	wrdreg s2  }
0xb0: {  	[dreg:$0x3] =	wrdreg s18  }
0xb1: {  	[dreg:$0x4] =	wrdreg s24  }
0xb2: {  	[dreg:$0x5] =	wrdreg $0x9  }
0xb3: {  	_ =	task.clear_ibuf [dreg:s8], $0x6FFFF;
	_ =	strace $0x90000046  }
0xb4: {  	s29 =	simm.s32 $0x9;
	_ =	strace $0x80000048  }
0xb5: {  	_ =	swait.ge [sflag:s29], $0x1  }
0xb6: {  	[sflag:s29] =	ssyncadd.s32 $0xFFFFFFFF  }
0xb7: {  	_ =	strace $0x90000048  }
0xb8: {  	_ =	sfence  }
0xb9: {  	s30 =	sld [smem:$0x0];
	_ =	sdelay $0x2  }
0xba: {  	s31 =	sshll.u32 s1, $0xD;
	s1 =	sshrl.u32 s1, $0x2  }
0xbb: {  	s3 =	sand.u32 $0x4000, s31;
	s1 =	sadd.s32 s1, s30  }
0xbc: {  	s0 =	sor.u32 s3, s0;
	s1 =	sshll.u32 s1, $0x11  }
0xbd: {  	s0 =	sor.u32 s1, s0  }
0xbe: {  	s0 =	sadd.s32 $0x8F2B, s0  }
0xbf: {  	[sflag:s0] =	ssyncadd.remote.s32 $0x1  }
0xc0: {  	_ =	sfence.sel $0xFFFF  }
0xc1: {  	[dreg:$0x0] =	wrdreg $0xFFFFFFFF;
	(pc) =	sbr.abs _section_cstart, $3  }
0xc2: {  	[dreg:$0x1] =	wrdreg $0xFFFFFFFF  }
0xc3: {  	_ =	task.clear_ibuf [dreg:s8], $0x2FFFF;
	_ =	strace $0x9FFFFFFF  }
0xc4: {  	(tm) =	ssettm $0x7FFFFFFF  }
0xc5: {  	_ =	shalt  }
tec
execute0_lowered:
.L_overlay_start_1:
0x0: {  	(tag) =	ssettag $0x1  }
0x1: {  	s1 =	rddreg [dreg:$0x0]  }
0x2: {  	s0 =	rddreg [dreg:$0x1];
	s2 =	srdreg.scid  }
0x3: {  	s3 =	stileid.u32;
	s4 =	rddreg [dreg:$0x2];
	s31 =	simm.s32 $0x3  }
0x4: {  	s9 =	simm.s32 $0x11C00;
	s10 =	simm.s32 $0x12400;
	s11 =	simm.s32 $0x12C00  }
0x5: {  	s12 =	simm.s32 $0x13400;
	s13 =	simm.s32 $0x13C00;
	s14 =	simm.s32 $0x14400  }
0x6: {  	s15 =	simm.s32 $0x14C00;
	s16 =	simm.s32 $0x15400;
	s17 =	simm.s32 $0x15C00  }
0x7: {  	s28 =	simm.s32 $0x16C00;
	s2 =	sand.u32 $0x1, s2;
	s5 =	sshll.u32 s3, $0x1  }
0x8: {  	s29 =	simm.s32 $0x17400;
	s30 =	simm.s32 $0x17C00;
	s5 =	sor.u32 s2, s5  }
0x9: {  	s3 =	simm.s32 $0x0;
	s6 =	sshll.u32 s5, $0xF;
	s5 =	sshll.u32 s5, $0x7  }
0xa: {  	[smem:$0x7FF] =	sst s3;
	s7 =	sadd.s32 s6, s4;
	s0 =	sadd.s32 s0, s5  }
0xb: {  	_ =	strace $0x80000047;
	[dreg:$0x4] =	wrdreg s0;
	s18 =	sadd.s32 $0x600, s7  }
0xc: {  	s2 =	ssub.s32 $0x2, s2;
	s19 =	sadd.s32 $0x1600, s7;
	[dreg:$0x5] =	wrdreg s18  }
0xd: {  	s21 =	sshrl.u32 s2, $0x1;
	s20 =	sadd.s32 $0x2600, s7;
	[dreg:$0x6] =	wrdreg s19  }
0xe: {  	s2 =	ssub.s32 s2, s21;
	s22 =	sadd.s32 $0x3600, s7;
	[dreg:$0x7] =	wrdreg s20  }
0xf: {  	s4 =	sadd.s32 $0x100, s1;
	s23 =	sadd.s32 $0x4600, s7;
	[dreg:$0x8] =	wrdreg s22  }
0x10: {  	s5 =	sadd.s32 $0x200, s1;
	s24 =	sadd.s32 $0x5600, s7;
	[dreg:$0x9] =	wrdreg s23  }
0x11: {  	s6 =	sadd.s32 $0x300, s1;
	s25 =	sadd.s32 $0x6600, s7;
	[dreg:$0xa] =	wrdreg s24  }
0x12: {  	s21 =	simm.s32 $0x5;
	s26 =	sadd.s32 $0x7600, s7;
	[dreg:$0xb] =	wrdreg s25  }
0x13: {  	v2 =	vlaneseq.u32;
	s7 =	smax.u32 s2, $0x1;
	[dreg:$0xc] =	wrdreg s26;
	s18 =	simm.s32 $0x1  }
0x14: {  	vm0 =	vmmov $0xffff;
	v1 =	vshrl.u32 v2, $0x3;
	s19 =	simm.s32 $0x4;
	s20 =	simm.s32 $0x2;
	s23 =	simm.s32 $0x6  }
0x15: {  	v0 =	vand.u32 $0x7, v2;
	v2 =	vor.u32 $0x8, v2;
	v1 =	vmul.u32 $0x8, v1;
	s25 =	simm.s32 $0x400;
	s22 =	simm.s32 $0x10C00;
	s26 =	simm.s32 $0x16400  }
.LBB2_1:
0x16: {  	s24 =	rddreg [dreg:$0x4];
	s8 =	simm.s32 $0x7  }
0x17: {  	[tilespmem:s3], [sflag:$0x7] =	stream.linear.gather [hbm4b:s24+s3], $0x400, $0x38;
	[tilespmem:$0x18400] =	vst v63  }
0x18: {  	_ =	swait.ge [sflag:s8], $0x400  }
0x19: {  	[sflag:s8] =	ssyncset.done $0x0  }
0x1a: {  	[sflag:s8] =	ssyncadd.s32 $0xFFFFFC00  }
0x1b: {  	v3 =	vld [tilespmem:$0x0];
	_ =	sdelay $0x4  }
0x1c: {  	v4 =	vshll.u32 v3, $0x3  }
0x1d: {  	v3 =	vand.u32 $0x7, v3;
	v4 =	vand.u32 $0xFFFFFFC0, v4  }
0x1e: {  	v3 =	vor.u32 v3, v4  }
0x1f: {  	v4 =	vperm.xlane v3, v0;
	_ =	sdelay $0x1  }
0x20: {  	v4 =	vadd.s32 v1, v4;
	_ =	sdelay $0x4  }
0x21: {  	[tilespmem:s25], [sflag:$0x1] =	stream.indirect_vreg.gather [hbm4b:s1+s3], $0x80, v4, vm0, $0xb8;
	[tilespmem:$0x18400] =	vst v63  }
0x22: {  	s0 =	simm.s32 $0xC00;
	v3 =	vperm.xlane v3, v2  }
0x23: {  	[tilespmem:s0], [sflag:$0x1] =	stream.indirect_vreg.gather [hbm4b:s4+s3], $0x80, v4, vm0, $0xb8;
	[tilespmem:$0x18400] =	vst v63  }
0x24: {  	s24 =	simm.s32 $0x1400;
	v3 =	vadd.s32 v1, v3  }
0x25: {  	[tilespmem:s24], [sflag:$0x1] =	stream.indirect_vreg.gather [hbm4b:s5+s3], $0x80, v4, vm0, $0xb8;
	[tilespmem:$0x18400] =	vst v63  }
0x26: {  	s2 =	simm.s32 $0x1C00  }
0x27: {  	[tilespmem:s2], [sflag:$0x1] =	stream.indirect_vreg.gather [hbm4b:s6+s3], $0x80, v4, vm0, $0xb8;
	[tilespmem:$0x18400] =	vst v63  }
0x28: {  	s8 =	simm.s32 $0x2400  }
0x29: {  	[tilespmem:s8], [sflag:$0x1] =	stream.indirect_vreg.gather [hbm4b:s1+s3], $0x80, v3, vm0, $0xb8;
	[tilespmem:$0x18400] =	vst v63  }
0x2a: {  	s24 =	simm.s32 $0x2C00  }
0x2b: {  	[tilespmem:s24], [sflag:$0x1] =	stream.indirect_vreg.gather [hbm4b:s4+s3], $0x80, v3, vm0, $0xb8;
	[tilespmem:$0x18400] =	vst v63  }
0x2c: {  	s2 =	simm.s32 $0x3400  }
0x2d: {  	[tilespmem:s2], [sflag:$0x1] =	stream.indirect_vreg.gather [hbm4b:s5+s3], $0x80, v3, vm0, $0xb8;
	[tilespmem:$0x18400] =	vst v63  }
0x2e: {  	s8 =	simm.s32 $0x3C00  }
0x2f: {  	[tilespmem:s8], [sflag:$0x1] =	stream.indirect_vreg.gather [hbm4b:s6+s3], $0x80, v3, vm0, $0xb8;
	[tilespmem:$0x18400] =	vst v63  }
0x30: {  	v3 =	vld [tilespmem:$0x10];
	_ =	sdelay $0x4  }
0x31: {  	v49 =	vshll.u32 v3, $0x3  }
0x32: {  	v3 =	vand.u32 $0x7, v3;
	v4 =	vand.u32 $0xFFFFFFC0, v49  }
0x33: {  	v3 =	vor.u32 v3, v4  }
0x34: {  	v4 =	vperm.xlane v3, v0;
	_ =	sdelay $0x1  }
0x35: {  	v4 =	vadd.s32 v1, v4;
	_ =	sdelay $0x3  }
0x36: {  	s24 =	simm.s32 $0x4400  }
0x37: {  	[tilespmem:s24], [sflag:$0x1] =	stream.indirect_vreg.gather [hbm4b:s1+s3], $0x80, v4, vm0, $0xb8;
	[tilespmem:$0x18400] =	vst v63  }
0x38: {  	s2 =	simm.s32 $0x4C00;
	v3 =	vperm.xlane v3, v2  }
0x39: {  	[tilespmem:s2], [sflag:$0x1] =	stream.indirect_vreg.gather [hbm4b:s4+s3], $0x80, v4, vm0, $0xb8;
	[tilespmem:$0x18400] =	vst v63  }
0x3a: {  	s8 =	simm.s32 $0x5400;
	v3 =	vadd.s32 v1, v3  }
0x3b: {  	[tilespmem:s8], [sflag:$0x1] =	stream.indirect_vreg.gather [hbm4b:s5+s3], $0x80, v4, vm0, $0xb8;
	[tilespmem:$0x18400] =	vst v63  }
0x3c: {  	s24 =	simm.s32 $0x5C00  }
0x3d: {  	[tilespmem:s24], [sflag:$0x1] =	stream.indirect_vreg.gather [hbm4b:s6+s3], $0x80, v4, vm0, $0xb8;
	[tilespmem:$0x18400] =	vst v63  }
0x3e: {  	s2 =	simm.s32 $0x6400  }
0x3f: {  	[tilespmem:s2], [sflag:$0x1] =	stream.indirect_vreg.gather [hbm4b:s1+s3], $0x80, v3, vm0, $0xb8;
	[tilespmem:$0x18400] =	vst v63  }
0x40: {  	s8 =	simm.s32 $0x6C00  }
0x41: {  	[tilespmem:s8], [sflag:$0x1] =	stream.indirect_vreg.gather [hbm4b:s4+s3], $0x80, v3, vm0, $0xb8;
	[tilespmem:$0x18400] =	vst v63  }
0x42: {  	s24 =	simm.s32 $0x7400  }
0x43: {  	[tilespmem:s24], [sflag:$0x1] =	stream.indirect_vreg.gather [hbm4b:s5+s3], $0x80, v3, vm0, $0xb8;
	[tilespmem:$0x18400] =	vst v63  }
0x44: {  	s2 =	simm.s32 $0x7C00  }
0x45: {  	[tilespmem:s2], [sflag:$0x1] =	stream.indirect_vreg.gather [hbm4b:s6+s3], $0x80, v3, vm0, $0xb8;
	[tilespmem:$0x18400] =	vst v63  }
0x46: {  	v3 =	vld [tilespmem:$0x80];
	_ =	sdelay $0x4  }
0x47: {  	v50 =	vshll.u32 v3, $0x3  }
0x48: {  	v3 =	vand.u32 $0x7, v3;
	v4 =	vand.u32 $0xFFFFFFC0, v50  }
0x49: {  	v3 =	vor.u32 v3, v4  }
0x4a: {  	v4 =	vperm.xlane v3, v0;
	_ =	sdelay $0x1  }
0x4b: {  	v4 =	vadd.s32 v1, v4;
	_ =	sdelay $0x3  }
0x4c: {  	s0 =	simm.s32 $0x8400  }
0x4d: {  	[tilespmem:s0], [sflag:$0x2] =	stream.indirect_vreg.gather [hbm4b:s1+s3], $0x80, v4, vm0, $0xb8;
	[tilespmem:$0x18400] =	vst v63  }
0x4e: {  	s2 =	simm.s32 $0x8C00;
	v3 =	vperm.xlane v3, v2  }
0x4f: {  	[tilespmem:s2], [sflag:$0x2] =	stream.indirect_vreg.gather [hbm4b:s4+s3], $0x80, v4, vm0, $0xb8;
	[tilespmem:$0x18400] =	vst v63  }
0x50: {  	s8 =	simm.s32 $0x9400;
	v3 =	vadd.s32 v1, v3  }
0x51: {  	[tilespmem:s8], [sflag:$0x2] =	stream.indirect_vreg.gather [hbm4b:s5+s3], $0x80, v4, vm0, $0xb8;
	[tilespmem:$0x18400] =	vst v63  }
0x52: {  	s24 =	simm.s32 $0x9C00  }
0x53: {  	[tilespmem:s24], [sflag:$0x2] =	stream.indirect_vreg.gather [hbm4b:s6+s3], $0x80, v4, vm0, $0xb8;
	[tilespmem:$0x18400] =	vst v63  }
0x54: {  	s8 =	simm.s32 $0xA400  }
0x55: {  	[tilespmem:s8], [sflag:$0x2] =	stream.indirect_vreg.gather [hbm4b:s1+s3], $0x80, v3, vm0, $0xb8;
	[tilespmem:$0x18400] =	vst v63  }
0x56: {  	s24 =	simm.s32 $0xAC00  }
0x57: {  	[tilespmem:s24], [sflag:$0x2] =	stream.indirect_vreg.gather [hbm4b:s4+s3], $0x80, v3, vm0, $0xb8;
	[tilespmem:$0x18400] =	vst v63  }
0x58: {  	s8 =	simm.s32 $0xB400  }
0x59: {  	[tilespmem:s8], [sflag:$0x2] =	stream.indirect_vreg.gather [hbm4b:s5+s3], $0x80, v3, vm0, $0xb8;
	[tilespmem:$0x18400] =	vst v63  }
0x5a: {  	s24 =	simm.s32 $0xBC00  }
0x5b: {  	[tilespmem:s24], [sflag:$0x2] =	stream.indirect_vreg.gather [hbm4b:s6+s3], $0x80, v3, vm0, $0xb8;
	[tilespmem:$0x18400] =	vst v63  }
0x5c: {  	v3 =	vld [tilespmem:$0x90];
	_ =	sdelay $0x4  }
0x5d: {  	v51 =	vshll.u32 v3, $0x3  }
0x5e: {  	v3 =	vand.u32 $0x7, v3;
	v4 =	vand.u32 $0xFFFFFFC0, v51  }
0x5f: {  	v3 =	vor.u32 v3, v4  }
0x60: {  	v4 =	vperm.xlane v3, v0;
	_ =	sdelay $0x1  }
0x61: {  	v4 =	vadd.s32 v1, v4;
	_ =	sdelay $0x3  }
0x62: {  	s8 =	simm.s32 $0xC400  }
0x63: {  	[tilespmem:s8], [sflag:$0x2] =	stream.indirect_vreg.gather [hbm4b:s1+s3], $0x80, v4, vm0, $0xb8;
	[tilespmem:$0x18400] =	vst v63  }
0x64: {  	s24 =	simm.s32 $0xCC00;
	v3 =	vperm.xlane v3, v2  }
0x65: {  	[tilespmem:s24], [sflag:$0x2] =	stream.indirect_vreg.gather [hbm4b:s4+s3], $0x80, v4, vm0, $0xb8;
	[tilespmem:$0x18400] =	vst v63  }
0x66: {  	v3 =	vadd.s32 v1, v3;
	s8 =	simm.s32 $0xD400  }
0x67: {  	[tilespmem:s8], [sflag:$0x2] =	stream.indirect_vreg.gather [hbm4b:s5+s3], $0x80, v4, vm0, $0xb8;
	[tilespmem:$0x18400] =	vst v63  }
0x68: {  	s24 =	simm.s32 $0xDC00  }
0x69: {  	[tilespmem:s24], [sflag:$0x2] =	stream.indirect_vreg.gather [hbm4b:s6+s3], $0x80, v4, vm0, $0xb8;
	[tilespmem:$0x18400] =	vst v63  }
0x6a: {  	s8 =	simm.s32 $0xE400  }
0x6b: {  	[tilespmem:s8], [sflag:$0x2] =	stream.indirect_vreg.gather [hbm4b:s1+s3], $0x80, v3, vm0, $0xb8;
	[tilespmem:$0x18400] =	vst v63  }
0x6c: {  	s24 =	simm.s32 $0xEC00  }
0x6d: {  	[tilespmem:s24], [sflag:$0x2] =	stream.indirect_vreg.gather [hbm4b:s4+s3], $0x80, v3, vm0, $0xb8;
	[tilespmem:$0x18400] =	vst v63  }
0x6e: {  	s8 =	simm.s32 $0xF400  }
0x6f: {  	[tilespmem:s8], [sflag:$0x2] =	stream.indirect_vreg.gather [hbm4b:s5+s3], $0x80, v3, vm0, $0xb8;
	[tilespmem:$0x18400] =	vst v63  }
0x70: {  	s24 =	simm.s32 $0xFC00  }
0x71: {  	[tilespmem:s24], [sflag:$0x2] =	stream.indirect_vreg.gather [hbm4b:s6+s3], $0x80, v3, vm0, $0xb8;
	[tilespmem:$0x18400] =	vst v63  }
0x72: {  	v3 =	vld [tilespmem:$0x100];
	_ =	sdelay $0x4  }
0x73: {  	v52 =	vshll.u32 v3, $0x3  }
0x74: {  	v3 =	vand.u32 $0x7, v3;
	v4 =	vand.u32 $0xFFFFFFC0, v52  }
0x75: {  	v3 =	vor.u32 v3, v4  }
0x76: {  	v4 =	vperm.xlane v3, v0;
	_ =	sdelay $0x1  }
0x77: {  	v4 =	vadd.s32 v1, v4;
	_ =	sdelay $0x3  }
0x78: {  	s2 =	simm.s32 $0x10400  }
0x79: {  	[tilespmem:s2], [sflag:$0x3] =	stream.indirect_vreg.gather [hbm4b:s1+s3], $0x80, v4, vm0, $0xb8;
	[tilespmem:$0x18400] =	vst v63  }
0x7a: {  	v3 =	vperm.xlane v3, v2  }
0x7b: {  	[tilespmem:s22], [sflag:$0x3] =	stream.indirect_vreg.gather [hbm4b:s4+s3], $0x80, v4, vm0, $0xb8;
	[tilespmem:$0x18400] =	vst v63  }
0x7c: {  	s8 =	simm.s32 $0x11400;
	v3 =	vadd.s32 v1, v3  }
0x7d: {  	[tilespmem:s8], [sflag:$0x3] =	stream.indirect_vreg.gather [hbm4b:s5+s3], $0x80, v4, vm0, $0xb8;
	[tilespmem:$0x18400] =	vst v63  }
0x7e: {  	_ = 	snop  }
0x7f: {  	[tilespmem:s9], [sflag:$0x3] =	stream.indirect_vreg.gather [hbm4b:s6+s3], $0x80, v4, vm0, $0xb8;
	[tilespmem:$0x18400] =	vst v63  }
0x80: {  	_ = 	snop  }
0x81: {  	[tilespmem:s10], [sflag:$0x3] =	stream.indirect_vreg.gather [hbm4b:s1+s3], $0x80, v3, vm0, $0xb8;
	[tilespmem:$0x18400] =	vst v63  }
0x82: {  	_ = 	snop  }
0x83: {  	[tilespmem:s11], [sflag:$0x3] =	stream.indirect_vreg.gather [hbm4b:s4+s3], $0x80, v3, vm0, $0xb8;
	[tilespmem:$0x18400] =	vst v63  }
0x84: {  	_ = 	snop  }
0x85: {  	[tilespmem:s12], [sflag:$0x3] =	stream.indirect_vreg.gather [hbm4b:s5+s3], $0x80, v3, vm0, $0xb8;
	[tilespmem:$0x18400] =	vst v63  }
0x86: {  	_ = 	snop  }
0x87: {  	[tilespmem:s13], [sflag:$0x3] =	stream.indirect_vreg.gather [hbm4b:s6+s3], $0x80, v3, vm0, $0xb8;
	[tilespmem:$0x18400] =	vst v63  }
0x88: {  	v3 =	vld [tilespmem:$0x110];
	_ =	sdelay $0x4  }
0x89: {  	v53 =	vshll.u32 v3, $0x3  }
0x8a: {  	v3 =	vand.u32 $0x7, v3;
	v4 =	vand.u32 $0xFFFFFFC0, v53  }
0x8b: {  	v3 =	vor.u32 v3, v4  }
0x8c: {  	v4 =	vperm.xlane v3, v0;
	_ =	sdelay $0x1  }
0x8d: {  	v4 =	vadd.s32 v1, v4;
	_ =	sdelay $0x4  }
0x8e: {  	[tilespmem:s14], [sflag:$0x3] =	stream.indirect_vreg.gather [hbm4b:s1+s3], $0x80, v4, vm0, $0xb8;
	[tilespmem:$0x18400] =	vst v63  }
0x8f: {  	v3 =	vperm.xlane v3, v2  }
0x90: {  	[tilespmem:s15], [sflag:$0x3] =	stream.indirect_vreg.gather [hbm4b:s4+s3], $0x80, v4, vm0, $0xb8;
	[tilespmem:$0x18400] =	vst v63  }
0x91: {  	v3 =	vadd.s32 v1, v3  }
0x92: {  	[tilespmem:s16], [sflag:$0x3] =	stream.indirect_vreg.gather [hbm4b:s5+s3], $0x80, v4, vm0, $0xb8;
	[tilespmem:$0x18400] =	vst v63  }
0x93: {  	_ = 	snop  }
0x94: {  	[tilespmem:s17], [sflag:$0x3] =	stream.indirect_vreg.gather [hbm4b:s6+s3], $0x80, v4, vm0, $0xb8;
	[tilespmem:$0x18400] =	vst v63  }
0x95: {  	_ = 	snop  }
0x96: {  	[tilespmem:s26], [sflag:$0x3] =	stream.indirect_vreg.gather [hbm4b:s1+s3], $0x80, v3, vm0, $0xb8;
	[tilespmem:$0x18400] =	vst v63  }
0x97: {  	_ = 	snop  }
0x98: {  	[tilespmem:s28], [sflag:$0x3] =	stream.indirect_vreg.gather [hbm4b:s4+s3], $0x80, v3, vm0, $0xb8;
	[tilespmem:$0x18400] =	vst v63  }
0x99: {  	_ = 	snop  }
0x9a: {  	[tilespmem:s29], [sflag:$0x3] =	stream.indirect_vreg.gather [hbm4b:s5+s3], $0x80, v3, vm0, $0xb8;
	[tilespmem:$0x18400] =	vst v63  }
0x9b: {  	_ = 	snop  }
0x9c: {  	[tilespmem:s30], [sflag:$0x3] =	stream.indirect_vreg.gather [hbm4b:s6+s3], $0x80, v3, vm0, $0xb8;
	[tilespmem:$0x18400] =	vst v63  }
0x9d: {  	_ =	swait.ge [sflag:s18], $0x8000  }
0x9e: {  	[sflag:s18] =	ssyncset.done $0x0  }
0x9f: {  	s24 =	rddreg [dreg:$0x5];
	[sflag:s18] =	ssyncadd.s32 $0xFFFF8000  }
0xa0: {  	[hbm4b:s24+s3] =	stream.linear.scatter [tilespmem:s25], [sflag:$0x4], $0x8000, $0x38;
	[tilespmem:$0x18400] =	vst v63  }
0xa1: {  	_ =	swait.ge [sflag:s19], $0x8000  }
0xa2: {  	[sflag:s19] =	ssyncset.done $0x0  }
0xa3: {  	[sflag:s19] =	ssyncadd.s32 $0xFFFF8000  }
0xa4: {  	v3 =	vld [tilespmem:$0x180];
	_ =	sdelay $0x4  }
0xa5: {  	v54 =	vshll.u32 v3, $0x3  }
0xa6: {  	v3 =	vand.u32 $0x7, v3;
	v4 =	vand.u32 $0xFFFFFFC0, v54  }
0xa7: {  	v3 =	vor.u32 v3, v4  }
0xa8: {  	v4 =	vperm.xlane v3, v0;
	_ =	sdelay $0x1  }
0xa9: {  	v4 =	vadd.s32 v1, v4;
	_ =	sdelay $0x4  }
0xaa: {  	[tilespmem:s25], [sflag:$0x1] =	stream.indirect_vreg.gather [hbm4b:s1+s3], $0x80, v4, vm0, $0xb8;
	[tilespmem:$0x18400] =	vst v63  }
0xab: {  	s24 =	simm.s32 $0xC00;
	v3 =	vperm.xlane v3, v2  }
0xac: {  	[tilespmem:s24], [sflag:$0x1] =	stream.indirect_vreg.gather [hbm4b:s4+s3], $0x80, v4, vm0, $0xb8;
	[tilespmem:$0x18400] =	vst v63  }
0xad: {  	v3 =	vadd.s32 v1, v3;
	s24 =	simm.s32 $0x1400  }
0xae: {  	[tilespmem:s24], [sflag:$0x1] =	stream.indirect_vreg.gather [hbm4b:s5+s3], $0x80, v4, vm0, $0xb8;
	[tilespmem:$0x18400] =	vst v63  }
0xaf: {  	s24 =	simm.s32 $0x1C00  }
0xb0: {  	[tilespmem:s24], [sflag:$0x1] =	stream.indirect_vreg.gather [hbm4b:s6+s3], $0x80, v4, vm0, $0xb8;
	[tilespmem:$0x18400] =	vst v63  }
0xb1: {  	s24 =	simm.s32 $0x2400  }
0xb2: {  	[tilespmem:s24], [sflag:$0x1] =	stream.indirect_vreg.gather [hbm4b:s1+s3], $0x80, v3, vm0, $0xb8;
	[tilespmem:$0x18400] =	vst v63  }
0xb3: {  	s24 =	simm.s32 $0x2C00  }
0xb4: {  	[tilespmem:s24], [sflag:$0x1] =	stream.indirect_vreg.gather [hbm4b:s4+s3], $0x80, v3, vm0, $0xb8;
	[tilespmem:$0x18400] =	vst v63  }
0xb5: {  	s24 =	simm.s32 $0x3400  }
0xb6: {  	[tilespmem:s24], [sflag:$0x1] =	stream.indirect_vreg.gather [hbm4b:s5+s3], $0x80, v3, vm0, $0xb8;
	[tilespmem:$0x18400] =	vst v63  }
0xb7: {  	s24 =	simm.s32 $0x3C00  }
0xb8: {  	[tilespmem:s24], [sflag:$0x1] =	stream.indirect_vreg.gather [hbm4b:s6+s3], $0x80, v3, vm0, $0xb8;
	[tilespmem:$0x18400] =	vst v63  }
0xb9: {  	v3 =	vld [tilespmem:$0x190];
	_ =	sdelay $0x4  }
0xba: {  	v55 =	vshll.u32 v3, $0x3  }
0xbb: {  	v3 =	vand.u32 $0x7, v3;
	v4 =	vand.u32 $0xFFFFFFC0, v55  }
0xbc: {  	v3 =	vor.u32 v3, v4  }
0xbd: {  	v4 =	vperm.xlane v3, v0;
	_ =	sdelay $0x1  }
0xbe: {  	v4 =	vadd.s32 v1, v4;
	_ =	sdelay $0x3  }
0xbf: {  	s24 =	simm.s32 $0x4400  }
0xc0: {  	[tilespmem:s24], [sflag:$0x1] =	stream.indirect_vreg.gather [hbm4b:s1+s3], $0x80, v4, vm0, $0xb8;
	[tilespmem:$0x18400] =	vst v63  }
0xc1: {  	v3 =	vperm.xlane v3, v2;
	s24 =	simm.s32 $0x4C00  }
0xc2: {  	[tilespmem:s24], [sflag:$0x1] =	stream.indirect_vreg.gather [hbm4b:s4+s3], $0x80, v4, vm0, $0xb8;
	[tilespmem:$0x18400] =	vst v63  }
0xc3: {  	v3 =	vadd.s32 v1, v3;
	s24 =	simm.s32 $0x5400  }
0xc4: {  	[tilespmem:s24], [sflag:$0x1] =	stream.indirect_vreg.gather [hbm4b:s5+s3], $0x80, v4, vm0, $0xb8;
	[tilespmem:$0x18400] =	vst v63  }
0xc5: {  	s24 =	simm.s32 $0x5C00  }
0xc6: {  	[tilespmem:s24], [sflag:$0x1] =	stream.indirect_vreg.gather [hbm4b:s6+s3], $0x80, v4, vm0, $0xb8;
	[tilespmem:$0x18400] =	vst v63  }
0xc7: {  	s24 =	simm.s32 $0x6400  }
0xc8: {  	[tilespmem:s24], [sflag:$0x1] =	stream.indirect_vreg.gather [hbm4b:s1+s3], $0x80, v3, vm0, $0xb8;
	[tilespmem:$0x18400] =	vst v63  }
0xc9: {  	s24 =	simm.s32 $0x6C00  }
0xca: {  	[tilespmem:s24], [sflag:$0x1] =	stream.indirect_vreg.gather [hbm4b:s4+s3], $0x80, v3, vm0, $0xb8;
	[tilespmem:$0x18400] =	vst v63  }
0xcb: {  	s24 =	simm.s32 $0x7400  }
0xcc: {  	[tilespmem:s24], [sflag:$0x1] =	stream.indirect_vreg.gather [hbm4b:s5+s3], $0x80, v3, vm0, $0xb8;
	[tilespmem:$0x18400] =	vst v63  }
0xcd: {  	s24 =	simm.s32 $0x7C00  }
0xce: {  	[tilespmem:s24], [sflag:$0x1] =	stream.indirect_vreg.gather [hbm4b:s6+s3], $0x80, v3, vm0, $0xb8;
	[tilespmem:$0x18400] =	vst v63  }
0xcf: {  	_ =	swait.ge [sflag:s20], $0x8000  }
0xd0: {  	[sflag:s20] =	ssyncset.done $0x0  }
0xd1: {  	s24 =	rddreg [dreg:$0x6];
	[sflag:s20] =	ssyncadd.s32 $0xFFFF8000  }
0xd2: {  	[hbm4b:s24+s3] =	stream.linear.scatter [tilespmem:s0], [sflag:$0x5], $0x8000, $0x38;
	[tilespmem:$0x18400] =	vst v63  }
0xd3: {  	_ =	swait.ge [sflag:s21], $0x8000  }
0xd4: {  	[sflag:s21] =	ssyncset.done $0x0  }
0xd5: {  	[sflag:s21] =	ssyncadd.s32 $0xFFFF8000  }
0xd6: {  	v3 =	vld [tilespmem:$0x200];
	_ =	sdelay $0x4  }
0xd7: {  	v56 =	vshll.u32 v3, $0x3  }
0xd8: {  	v3 =	vand.u32 $0x7, v3;
	v4 =	vand.u32 $0xFFFFFFC0, v56  }
0xd9: {  	v3 =	vor.u32 v3, v4  }
0xda: {  	v4 =	vperm.xlane v3, v0;
	_ =	sdelay $0x1  }
0xdb: {  	v4 =	vadd.s32 v1, v4;
	_ =	sdelay $0x4  }
0xdc: {  	[tilespmem:s0], [sflag:$0x2] =	stream.indirect_vreg.gather [hbm4b:s1+s3], $0x80, v4, vm0, $0xb8;
	[tilespmem:$0x18400] =	vst v63  }
0xdd: {  	s24 =	simm.s32 $0x8C00;
	v3 =	vperm.xlane v3, v2  }
0xde: {  	[tilespmem:s24], [sflag:$0x2] =	stream.indirect_vreg.gather [hbm4b:s4+s3], $0x80, v4, vm0, $0xb8;
	[tilespmem:$0x18400] =	vst v63  }
0xdf: {  	v3 =	vadd.s32 v1, v3;
	s24 =	simm.s32 $0x9400  }
0xe0: {  	[tilespmem:s24], [sflag:$0x2] =	stream.indirect_vreg.gather [hbm4b:s5+s3], $0x80, v4, vm0, $0xb8;
	[tilespmem:$0x18400] =	vst v63  }
0xe1: {  	s24 =	simm.s32 $0x9C00  }
0xe2: {  	[tilespmem:s24], [sflag:$0x2] =	stream.indirect_vreg.gather [hbm4b:s6+s3], $0x80, v4, vm0, $0xb8;
	[tilespmem:$0x18400] =	vst v63  }
0xe3: {  	s24 =	simm.s32 $0xA400  }
0xe4: {  	[tilespmem:s24], [sflag:$0x2] =	stream.indirect_vreg.gather [hbm4b:s1+s3], $0x80, v3, vm0, $0xb8;
	[tilespmem:$0x18400] =	vst v63  }
0xe5: {  	s24 =	simm.s32 $0xAC00  }
0xe6: {  	[tilespmem:s24], [sflag:$0x2] =	stream.indirect_vreg.gather [hbm4b:s4+s3], $0x80, v3, vm0, $0xb8;
	[tilespmem:$0x18400] =	vst v63  }
0xe7: {  	s24 =	simm.s32 $0xB400  }
0xe8: {  	[tilespmem:s24], [sflag:$0x2] =	stream.indirect_vreg.gather [hbm4b:s5+s3], $0x80, v3, vm0, $0xb8;
	[tilespmem:$0x18400] =	vst v63  }
0xe9: {  	s24 =	simm.s32 $0xBC00  }
0xea: {  	[tilespmem:s24], [sflag:$0x2] =	stream.indirect_vreg.gather [hbm4b:s6+s3], $0x80, v3, vm0, $0xb8;
	[tilespmem:$0x18400] =	vst v63  }
0xeb: {  	v3 =	vld [tilespmem:$0x210];
	_ =	sdelay $0x4  }
0xec: {  	v57 =	vshll.u32 v3, $0x3  }
0xed: {  	v3 =	vand.u32 $0x7, v3;
	v4 =	vand.u32 $0xFFFFFFC0, v57  }
0xee: {  	v3 =	vor.u32 v3, v4  }
0xef: {  	v4 =	vperm.xlane v3, v0;
	_ =	sdelay $0x1  }
0xf0: {  	v4 =	vadd.s32 v1, v4;
	_ =	sdelay $0x3  }
0xf1: {  	s24 =	simm.s32 $0xC400  }
0xf2: {  	[tilespmem:s24], [sflag:$0x2] =	stream.indirect_vreg.gather [hbm4b:s1+s3], $0x80, v4, vm0, $0xb8;
	[tilespmem:$0x18400] =	vst v63  }
0xf3: {  	v3 =	vperm.xlane v3, v2;
	s24 =	simm.s32 $0xCC00  }
0xf4: {  	[tilespmem:s24], [sflag:$0x2] =	stream.indirect_vreg.gather [hbm4b:s4+s3], $0x80, v4, vm0, $0xb8;
	[tilespmem:$0x18400] =	vst v63  }
0xf5: {  	v3 =	vadd.s32 v1, v3;
	s24 =	simm.s32 $0xD400  }
0xf6: {  	[tilespmem:s24], [sflag:$0x2] =	stream.indirect_vreg.gather [hbm4b:s5+s3], $0x80, v4, vm0, $0xb8;
	[tilespmem:$0x18400] =	vst v63  }
0xf7: {  	s24 =	simm.s32 $0xDC00  }
0xf8: {  	[tilespmem:s24], [sflag:$0x2] =	stream.indirect_vreg.gather [hbm4b:s6+s3], $0x80, v4, vm0, $0xb8;
	[tilespmem:$0x18400] =	vst v63  }
0xf9: {  	s24 =	simm.s32 $0xE400  }
0xfa: {  	[tilespmem:s24], [sflag:$0x2] =	stream.indirect_vreg.gather [hbm4b:s1+s3], $0x80, v3, vm0, $0xb8;
	[tilespmem:$0x18400] =	vst v63  }
0xfb: {  	s24 =	simm.s32 $0xEC00  }
0xfc: {  	[tilespmem:s24], [sflag:$0x2] =	stream.indirect_vreg.gather [hbm4b:s4+s3], $0x80, v3, vm0, $0xb8;
	[tilespmem:$0x18400] =	vst v63  }
0xfd: {  	s24 =	simm.s32 $0xF400  }
0xfe: {  	[tilespmem:s24], [sflag:$0x2] =	stream.indirect_vreg.gather [hbm4b:s5+s3], $0x80, v3, vm0, $0xb8;
	[tilespmem:$0x18400] =	vst v63  }
0xff: {  	s24 =	simm.s32 $0xFC00  }
0x100: {  	[tilespmem:s24], [sflag:$0x2] =	stream.indirect_vreg.gather [hbm4b:s6+s3], $0x80, v3, vm0, $0xb8;
	[tilespmem:$0x18400] =	vst v63  }
0x101: {  	_ =	swait.ge [sflag:s31], $0x8000  }
0x102: {  	[sflag:s31] =	ssyncset.done $0x0  }
0x103: {  	s24 =	rddreg [dreg:$0x7];
	[sflag:s31] =	ssyncadd.s32 $0xFFFF8000  }
0x104: {  	[hbm4b:s24+s3] =	stream.linear.scatter [tilespmem:s2], [sflag:$0x6], $0x8000, $0x38;
	[tilespmem:$0x18400] =	vst v63  }
0x105: {  	_ =	swait.ge [sflag:s23], $0x8000  }
0x106: {  	[sflag:s23] =	ssyncset.done $0x0  }
0x107: {  	[sflag:s23] =	ssyncadd.s32 $0xFFFF8000  }
0x108: {  	v3 =	vld [tilespmem:$0x280];
	_ =	sdelay $0x4  }
0x109: {  	v58 =	vshll.u32 v3, $0x3  }
0x10a: {  	v3 =	vand.u32 $0x7, v3;
	v4 =	vand.u32 $0xFFFFFFC0, v58  }
0x10b: {  	v3 =	vor.u32 v3, v4  }
0x10c: {  	v4 =	vperm.xlane v3, v0;
	_ =	sdelay $0x1  }
0x10d: {  	v4 =	vadd.s32 v1, v4;
	_ =	sdelay $0x4  }
0x10e: {  	[tilespmem:s2], [sflag:$0x3] =	stream.indirect_vreg.gather [hbm4b:s1+s3], $0x80, v4, vm0, $0xb8;
	[tilespmem:$0x18400] =	vst v63  }
0x10f: {  	v3 =	vperm.xlane v3, v2  }
0x110: {  	[tilespmem:s22], [sflag:$0x3] =	stream.indirect_vreg.gather [hbm4b:s4+s3], $0x80, v4, vm0, $0xb8;
	[tilespmem:$0x18400] =	vst v63  }
0x111: {  	v3 =	vadd.s32 v1, v3  }
0x112: {  	[tilespmem:s8], [sflag:$0x3] =	stream.indirect_vreg.gather [hbm4b:s5+s3], $0x80, v4, vm0, $0xb8;
	[tilespmem:$0x18400] =	vst v63  }
0x113: {  	_ = 	snop  }
0x114: {  	[tilespmem:s9], [sflag:$0x3] =	stream.indirect_vreg.gather [hbm4b:s6+s3], $0x80, v4, vm0, $0xb8;
	[tilespmem:$0x18400] =	vst v63  }
0x115: {  	_ = 	snop  }
0x116: {  	[tilespmem:s10], [sflag:$0x3] =	stream.indirect_vreg.gather [hbm4b:s1+s3], $0x80, v3, vm0, $0xb8;
	[tilespmem:$0x18400] =	vst v63  }
0x117: {  	_ = 	snop  }
0x118: {  	[tilespmem:s11], [sflag:$0x3] =	stream.indirect_vreg.gather [hbm4b:s4+s3], $0x80, v3, vm0, $0xb8;
	[tilespmem:$0x18400] =	vst v63  }
0x119: {  	_ = 	snop  }
0x11a: {  	[tilespmem:s12], [sflag:$0x3] =	stream.indirect_vreg.gather [hbm4b:s5+s3], $0x80, v3, vm0, $0xb8;
	[tilespmem:$0x18400] =	vst v63  }
0x11b: {  	_ = 	snop  }
0x11c: {  	[tilespmem:s13], [sflag:$0x3] =	stream.indirect_vreg.gather [hbm4b:s6+s3], $0x80, v3, vm0, $0xb8;
	[tilespmem:$0x18400] =	vst v63  }
0x11d: {  	v3 =	vld [tilespmem:$0x290];
	_ =	sdelay $0x4  }
0x11e: {  	v59 =	vshll.u32 v3, $0x3  }
0x11f: {  	v3 =	vand.u32 $0x7, v3;
	v4 =	vand.u32 $0xFFFFFFC0, v59  }
0x120: {  	v3 =	vor.u32 v3, v4  }
0x121: {  	v4 =	vperm.xlane v3, v0;
	_ =	sdelay $0x1  }
0x122: {  	v4 =	vadd.s32 v1, v4;
	_ =	sdelay $0x4  }
0x123: {  	[tilespmem:s14], [sflag:$0x3] =	stream.indirect_vreg.gather [hbm4b:s1+s3], $0x80, v4, vm0, $0xb8;
	[tilespmem:$0x18400] =	vst v63  }
0x124: {  	v3 =	vperm.xlane v3, v2  }
0x125: {  	[tilespmem:s15], [sflag:$0x3] =	stream.indirect_vreg.gather [hbm4b:s4+s3], $0x80, v4, vm0, $0xb8;
	[tilespmem:$0x18400] =	vst v63  }
0x126: {  	v3 =	vadd.s32 v1, v3  }
0x127: {  	[tilespmem:s16], [sflag:$0x3] =	stream.indirect_vreg.gather [hbm4b:s5+s3], $0x80, v4, vm0, $0xb8;
	[tilespmem:$0x18400] =	vst v63  }
0x128: {  	_ = 	snop  }
0x129: {  	[tilespmem:s17], [sflag:$0x3] =	stream.indirect_vreg.gather [hbm4b:s6+s3], $0x80, v4, vm0, $0xb8;
	[tilespmem:$0x18400] =	vst v63  }
0x12a: {  	_ = 	snop  }
0x12b: {  	[tilespmem:s26], [sflag:$0x3] =	stream.indirect_vreg.gather [hbm4b:s1+s3], $0x80, v3, vm0, $0xb8;
	[tilespmem:$0x18400] =	vst v63  }
0x12c: {  	_ = 	snop  }
0x12d: {  	[tilespmem:s28], [sflag:$0x3] =	stream.indirect_vreg.gather [hbm4b:s4+s3], $0x80, v3, vm0, $0xb8;
	[tilespmem:$0x18400] =	vst v63  }
0x12e: {  	_ = 	snop  }
0x12f: {  	[tilespmem:s29], [sflag:$0x3] =	stream.indirect_vreg.gather [hbm4b:s5+s3], $0x80, v3, vm0, $0xb8;
	[tilespmem:$0x18400] =	vst v63  }
0x130: {  	_ = 	snop  }
0x131: {  	[tilespmem:s30], [sflag:$0x3] =	stream.indirect_vreg.gather [hbm4b:s6+s3], $0x80, v3, vm0, $0xb8;
	[tilespmem:$0x18400] =	vst v63  }
0x132: {  	_ =	swait.ge [sflag:s18], $0x8000  }
0x133: {  	[sflag:s18] =	ssyncset.done $0x0  }
0x134: {  	s8 =	rddreg [dreg:$0x8];
	[sflag:s18] =	ssyncadd.s32 $0xFFFF8000  }
0x135: {  	[hbm4b:s8+s3] =	stream.linear.scatter [tilespmem:s25], [sflag:$0x4], $0x8000, $0x38;
	[tilespmem:$0x18400] =	vst v63  }
0x136: {  	_ =	swait.ge [sflag:s19], $0x8000  }
0x137: {  	[sflag:s19] =	ssyncset.done $0x0  }
0x138: {  	[sflag:s19] =	ssyncadd.s32 $0xFFFF8000  }
0x139: {  	v3 =	vld [tilespmem:$0x300];
	_ =	sdelay $0x4  }
0x13a: {  	v60 =	vshll.u32 v3, $0x3  }
0x13b: {  	v3 =	vand.u32 $0x7, v3;
	v4 =	vand.u32 $0xFFFFFFC0, v60  }
0x13c: {  	v3 =	vor.u32 v3, v4  }
0x13d: {  	v4 =	vperm.xlane v3, v0;
	_ =	sdelay $0x1  }
0x13e: {  	v4 =	vadd.s32 v1, v4;
	_ =	sdelay $0x4  }
0x13f: {  	[tilespmem:s25], [sflag:$0x1] =	stream.indirect_vreg.gather [hbm4b:s1+s3], $0x80, v4, vm0, $0xb8;
	[tilespmem:$0x18400] =	vst v63  }
0x140: {  	s24 =	simm.s32 $0xC00;
	v3 =	vperm.xlane v3, v2  }
0x141: {  	[tilespmem:s24], [sflag:$0x1] =	stream.indirect_vreg.gather [hbm4b:s4+s3], $0x80, v4, vm0, $0xb8;
	[tilespmem:$0x18400] =	vst v63  }
0x142: {  	v3 =	vadd.s32 v1, v3;
	s24 =	simm.s32 $0x1400  }
0x143: {  	[tilespmem:s24], [sflag:$0x1] =	stream.indirect_vreg.gather [hbm4b:s5+s3], $0x80, v4, vm0, $0xb8;
	[tilespmem:$0x18400] =	vst v63  }
0x144: {  	s24 =	simm.s32 $0x1C00  }
0x145: {  	[tilespmem:s24], [sflag:$0x1] =	stream.indirect_vreg.gather [hbm4b:s6+s3], $0x80, v4, vm0, $0xb8;
	[tilespmem:$0x18400] =	vst v63  }
0x146: {  	s24 =	simm.s32 $0x2400  }
0x147: {  	[tilespmem:s24], [sflag:$0x1] =	stream.indirect_vreg.gather [hbm4b:s1+s3], $0x80, v3, vm0, $0xb8;
	[tilespmem:$0x18400] =	vst v63  }
0x148: {  	s24 =	simm.s32 $0x2C00  }
0x149: {  	[tilespmem:s24], [sflag:$0x1] =	stream.indirect_vreg.gather [hbm4b:s4+s3], $0x80, v3, vm0, $0xb8;
	[tilespmem:$0x18400] =	vst v63  }
0x14a: {  	s24 =	simm.s32 $0x3400  }
0x14b: {  	[tilespmem:s24], [sflag:$0x1] =	stream.indirect_vreg.gather [hbm4b:s5+s3], $0x80, v3, vm0, $0xb8;
	[tilespmem:$0x18400] =	vst v63  }
0x14c: {  	s24 =	simm.s32 $0x3C00  }
0x14d: {  	[tilespmem:s24], [sflag:$0x1] =	stream.indirect_vreg.gather [hbm4b:s6+s3], $0x80, v3, vm0, $0xb8;
	[tilespmem:$0x18400] =	vst v63  }
0x14e: {  	v3 =	vld [tilespmem:$0x310];
	_ =	sdelay $0x4  }
0x14f: {  	v61 =	vshll.u32 v3, $0x3  }
0x150: {  	v3 =	vand.u32 $0x7, v3;
	v4 =	vand.u32 $0xFFFFFFC0, v61  }
0x151: {  	v3 =	vor.u32 v3, v4  }
0x152: {  	v4 =	vperm.xlane v3, v0;
	_ =	sdelay $0x1  }
0x153: {  	v4 =	vadd.s32 v1, v4;
	_ =	sdelay $0x3  }
0x154: {  	s24 =	simm.s32 $0x4400  }
0x155: {  	[tilespmem:s24], [sflag:$0x1] =	stream.indirect_vreg.gather [hbm4b:s1+s3], $0x80, v4, vm0, $0xb8;
	[tilespmem:$0x18400] =	vst v63  }
0x156: {  	v3 =	vperm.xlane v3, v2;
	s24 =	simm.s32 $0x4C00  }
0x157: {  	[tilespmem:s24], [sflag:$0x1] =	stream.indirect_vreg.gather [hbm4b:s4+s3], $0x80, v4, vm0, $0xb8;
	[tilespmem:$0x18400] =	vst v63  }
0x158: {  	v3 =	vadd.s32 v1, v3;
	s24 =	simm.s32 $0x5400  }
0x159: {  	[tilespmem:s24], [sflag:$0x1] =	stream.indirect_vreg.gather [hbm4b:s5+s3], $0x80, v4, vm0, $0xb8;
	[tilespmem:$0x18400] =	vst v63  }
0x15a: {  	s24 =	simm.s32 $0x5C00  }
0x15b: {  	[tilespmem:s24], [sflag:$0x1] =	stream.indirect_vreg.gather [hbm4b:s6+s3], $0x80, v4, vm0, $0xb8;
	[tilespmem:$0x18400] =	vst v63  }
0x15c: {  	s24 =	simm.s32 $0x6400  }
0x15d: {  	[tilespmem:s24], [sflag:$0x1] =	stream.indirect_vreg.gather [hbm4b:s1+s3], $0x80, v3, vm0, $0xb8;
	[tilespmem:$0x18400] =	vst v63  }
0x15e: {  	s24 =	simm.s32 $0x6C00  }
0x15f: {  	[tilespmem:s24], [sflag:$0x1] =	stream.indirect_vreg.gather [hbm4b:s4+s3], $0x80, v3, vm0, $0xb8;
	[tilespmem:$0x18400] =	vst v63  }
0x160: {  	s24 =	simm.s32 $0x7400  }
0x161: {  	[tilespmem:s24], [sflag:$0x1] =	stream.indirect_vreg.gather [hbm4b:s5+s3], $0x80, v3, vm0, $0xb8;
	[tilespmem:$0x18400] =	vst v63  }
0x162: {  	s24 =	simm.s32 $0x7C00  }
0x163: {  	[tilespmem:s24], [sflag:$0x1] =	stream.indirect_vreg.gather [hbm4b:s6+s3], $0x80, v3, vm0, $0xb8;
	[tilespmem:$0x18400] =	vst v63  }
0x164: {  	_ =	swait.ge [sflag:s20], $0x8000  }
0x165: {  	[sflag:s20] =	ssyncset.done $0x0  }
0x166: {  	s8 =	rddreg [dreg:$0x9];
	[sflag:s20] =	ssyncadd.s32 $0xFFFF8000  }
0x167: {  	[hbm4b:s8+s3] =	stream.linear.scatter [tilespmem:s0], [sflag:$0x5], $0x8000, $0x38;
	[tilespmem:$0x18400] =	vst v63  }
0x168: {  	_ =	swait.ge [sflag:s21], $0x8000  }
0x169: {  	[sflag:s21] =	ssyncset.done $0x0  }
0x16a: {  	[sflag:s21] =	ssyncadd.s32 $0xFFFF8000  }
0x16b: {  	v3 =	vld [tilespmem:$0x380];
	_ =	sdelay $0x4  }
0x16c: {  	v62 =	vshll.u32 v3, $0x3  }
0x16d: {  	v3 =	vand.u32 $0x7, v3;
	v4 =	vand.u32 $0xFFFFFFC0, v62  }
0x16e: {  	v3 =	vor.u32 v3, v4  }
0x16f: {  	v4 =	vperm.xlane v3, v0;
	_ =	sdelay $0x1  }
0x170: {  	v4 =	vadd.s32 v1, v4;
	_ =	sdelay $0x4  }
0x171: {  	[tilespmem:s0], [sflag:$0x2] =	stream.indirect_vreg.gather [hbm4b:s1+s3], $0x80, v4, vm0, $0xb8;
	[tilespmem:$0x18400] =	vst v63  }
0x172: {  	s24 =	simm.s32 $0x8C00;
	v3 =	vperm.xlane v3, v2  }
0x173: {  	[tilespmem:s24], [sflag:$0x2] =	stream.indirect_vreg.gather [hbm4b:s4+s3], $0x80, v4, vm0, $0xb8;
	[tilespmem:$0x18400] =	vst v63  }
0x174: {  	v3 =	vadd.s32 v1, v3;
	s24 =	simm.s32 $0x9400  }
0x175: {  	[tilespmem:s24], [sflag:$0x2] =	stream.indirect_vreg.gather [hbm4b:s5+s3], $0x80, v4, vm0, $0xb8;
	[tilespmem:$0x18400] =	vst v63  }
0x176: {  	s24 =	simm.s32 $0x9C00  }
0x177: {  	[tilespmem:s24], [sflag:$0x2] =	stream.indirect_vreg.gather [hbm4b:s6+s3], $0x80, v4, vm0, $0xb8;
	[tilespmem:$0x18400] =	vst v63  }
0x178: {  	s24 =	simm.s32 $0xA400  }
0x179: {  	[tilespmem:s24], [sflag:$0x2] =	stream.indirect_vreg.gather [hbm4b:s1+s3], $0x80, v3, vm0, $0xb8;
	[tilespmem:$0x18400] =	vst v63  }
0x17a: {  	s24 =	simm.s32 $0xAC00  }
0x17b: {  	[tilespmem:s24], [sflag:$0x2] =	stream.indirect_vreg.gather [hbm4b:s4+s3], $0x80, v3, vm0, $0xb8;
	[tilespmem:$0x18400] =	vst v63  }
0x17c: {  	s24 =	simm.s32 $0xB400  }
0x17d: {  	[tilespmem:s24], [sflag:$0x2] =	stream.indirect_vreg.gather [hbm4b:s5+s3], $0x80, v3, vm0, $0xb8;
	[tilespmem:$0x18400] =	vst v63  }
0x17e: {  	s24 =	simm.s32 $0xBC00  }
0x17f: {  	[tilespmem:s24], [sflag:$0x2] =	stream.indirect_vreg.gather [hbm4b:s6+s3], $0x80, v3, vm0, $0xb8;
	[tilespmem:$0x18400] =	vst v63  }
0x180: {  	v3 =	vld [tilespmem:$0x390];
	_ =	sdelay $0x4  }
0x181: {  	v63 =	vshll.u32 v3, $0x3  }
0x182: {  	v3 =	vand.u32 $0x7, v3;
	v4 =	vand.u32 $0xFFFFFFC0, v63  }
0x183: {  	v3 =	vor.u32 v3, v4  }
0x184: {  	v4 =	vperm.xlane v3, v0;
	_ =	sdelay $0x1  }
0x185: {  	v4 =	vadd.s32 v1, v4;
	_ =	sdelay $0x3  }
0x186: {  	s24 =	simm.s32 $0xC400  }
0x187: {  	[tilespmem:s24], [sflag:$0x2] =	stream.indirect_vreg.gather [hbm4b:s1+s3], $0x80, v4, vm0, $0xb8;
	[tilespmem:$0x18400] =	vst v63  }
0x188: {  	v3 =	vperm.xlane v3, v2;
	s24 =	simm.s32 $0xCC00  }
0x189: {  	[tilespmem:s24], [sflag:$0x2] =	stream.indirect_vreg.gather [hbm4b:s4+s3], $0x80, v4, vm0, $0xb8;
	[tilespmem:$0x18400] =	vst v63  }
0x18a: {  	v3 =	vadd.s32 v1, v3;
	s24 =	simm.s32 $0xD400  }
0x18b: {  	[tilespmem:s24], [sflag:$0x2] =	stream.indirect_vreg.gather [hbm4b:s5+s3], $0x80, v4, vm0, $0xb8;
	[tilespmem:$0x18400] =	vst v63  }
0x18c: {  	s24 =	simm.s32 $0xDC00  }
0x18d: {  	[tilespmem:s24], [sflag:$0x2] =	stream.indirect_vreg.gather [hbm4b:s6+s3], $0x80, v4, vm0, $0xb8;
	[tilespmem:$0x18400] =	vst v63  }
0x18e: {  	s24 =	simm.s32 $0xE400  }
0x18f: {  	[tilespmem:s24], [sflag:$0x2] =	stream.indirect_vreg.gather [hbm4b:s1+s3], $0x80, v3, vm0, $0xb8;
	[tilespmem:$0x18400] =	vst v63  }
0x190: {  	s24 =	simm.s32 $0xEC00  }
0x191: {  	[tilespmem:s24], [sflag:$0x2] =	stream.indirect_vreg.gather [hbm4b:s4+s3], $0x80, v3, vm0, $0xb8;
	[tilespmem:$0x18400] =	vst v63  }
0x192: {  	s24 =	simm.s32 $0xF400  }
0x193: {  	[tilespmem:s24], [sflag:$0x2] =	stream.indirect_vreg.gather [hbm4b:s5+s3], $0x80, v3, vm0, $0xb8;
	[tilespmem:$0x18400] =	vst v63  }
0x194: {  	s24 =	simm.s32 $0xFC00  }
0x195: {  	[tilespmem:s24], [sflag:$0x2] =	stream.indirect_vreg.gather [hbm4b:s6+s3], $0x80, v3, vm0, $0xb8;
	[tilespmem:$0x18400] =	vst v63  }
0x196: {  	_ =	swait.ge [sflag:s31], $0x8000  }
0x197: {  	[sflag:s31] =	ssyncset.done $0x0  }
0x198: {  	s8 =	rddreg [dreg:$0xa];
	[sflag:s31] =	ssyncadd.s32 $0xFFFF8000  }
0x199: {  	[hbm4b:s8+s3] =	stream.linear.scatter [tilespmem:s2], [sflag:$0x6], $0x8000, $0x38;
	[tilespmem:$0x18400] =	vst v63  }
0x19a: {  	_ =	swait.ge [sflag:s18], $0x8000  }
0x19b: {  	[sflag:s18] =	ssyncset.done $0x0  }
0x19c: {  	s2 =	rddreg [dreg:$0xb];
	[sflag:s18] =	ssyncadd.s32 $0xFFFF8000  }
0x19d: {  	[hbm4b:s2+s3] =	stream.linear.scatter [tilespmem:s25], [sflag:$0x4], $0x8000, $0x38;
	[tilespmem:$0x18400] =	vst v63  }
0x19e: {  	_ =	swait.ge [sflag:s20], $0x8000  }
0x19f: {  	[sflag:s20] =	ssyncset.done $0x0  }
0x1a0: {  	s8 =	rddreg [dreg:$0xc];
	[sflag:s20] =	ssyncadd.s32 $0xFFFF8000  }
0x1a1: {  	[hbm4b:s8+s3] =	stream.linear.scatter [tilespmem:s0], [sflag:$0x5], $0x8000, $0x38;
	[tilespmem:$0x18400] =	vst v63  }
0x1a2: {  	_ =	swait.ge [sflag:s19], $0x8000  }
0x1a3: {  	[sflag:s19] =	ssyncset.done $0x0  }
0x1a4: {  	[sflag:s19] =	ssyncadd.s32 $0xFFFF8000  }
0x1a5: {  	p0 =	sne.s32 s7, $0x1;
	_ =	swait.ge [sflag:s21], $0x8000  }
.Ltmp0:
0x1a6: {  	[sflag:s21] =	ssyncset.done $0x0;
	(pc) =	sbr.rel @p0 .LBB2_1-.Ltmp0, $4  }
0x1a7: {  	[sflag:s21] =	ssyncadd.s32 $0xFFFF8000  }
0x1a8: {  	_ =	swait.ge [sflag:s23], $0x8000  }
0x1a9: {  	[sflag:s23] =	ssyncset.done $0x0  }
0x1aa: {  	s7 =	sadd.s32 $0xFFFFFFFF, s7;
	[sflag:s23] =	ssyncadd.s32 $0xFFFF8000  }
0x1ab: {  	_ =	sfence.sel $0x180000  }
0x1ac: {  	[bflag:$0x0] =	sbarrier.arrive $0xFFFF  }
0x1ad: {  	_ =	strace $0x90000047  }
0x1ae: {  	s0 =	stileid.u32;
	[bflag:$0x2] =	sbarrier.arrive $0xFFFF  }
0x1af: {  	p0 =	sne.s32 s0, $0x0;
	s0 =	rddreg [dreg:$0x3]  }
0x1b0: {  	s0 =	sadd.s32 @!p0 $0x100000, s0  }
0x1b1: {  	[sflag:s0] =	ssyncadd.tile.s32 @!p0 $0x1;
	_ =	shalt  }
.Lfunc_end2:
_tile_overlayer_lowered:
.L_overlay_start_2:
0x1b2: {  	(tag) =	ssettag $0x2  }
0x1b3: {  	s0 =	rddreg [dreg:$0x0];
	s2 =	stileid.u32  }
0x1b4: {  	s1 =	rddreg [dreg:$0x1];
	p0 =	sne.s32 s2, $0x0  }
0x1b5: {  	s3 =	rddreg [dreg:$0x2];
	[bflag:$0x3] =	sbarrier.arrive $0xFFFF;
	s2 =	simm.s32 @!p0 $0x1C07  }
0x1b6: {  	[timem:s3], [sflag:s2] =	dma.local @!p0 [hbm:s0], s1  }
0x1b7: {  	s0 =	simm.s32 @!p0 $0x7  }
0x1b8: {  	_ =	swait.ge @!p0 [sflag:s0], s1  }
0x1b9: {  	s1 =	ssub.s32 @!p0 $0x0, s1;
	[sflag:s0] =	ssyncset.done @!p0 $0x0  }
0x1ba: {  	[sflag:s0] =	ssyncadd.s32 @!p0 s1  }
0x1bb: {  	[bflag:$0x3] =	sbarrier.arrive $0xFFFF  }
0x1bc: {  	_ =	shalt  }

</sc_bundles>
